<compile_context>
chip_gen: v7x
topology: tpu7x:2x2x1
jax: 0.10.2.dev20260603
libtpu: 0.0.44.dev20260713+nightly
codegen_flags: <defaults>
</compile_context>

<pallas_src>
import functools

import jax
import jax.numpy as jnp
from jax import lax
from jax.experimental import pallas as pl
from jax.experimental.pallas import tpu as pltpu
from jax.experimental.pallas import tpu_sc as plsc

_N = 4096
_F = 40
_V = 100000
_D = 16
_FD = 13
_FS = 27
_P = _N * _FS
_NC = 2
_NSUB = 16
_NW = _NC * _NSUB
_CHUNK = _P // _NW
_JR = _CHUNK // 128

_TN = 512
_GRID = _N // _TN
_CD = _FD * _D
_CS = _FS * _D



def _sc_body(idx_hbm, off_hbm, t1_hbm, t2_hbm, out1_hbm, out2_hbm,
             idx_v, off_v, rows1_v, rows2_v, sem1, sem2):
    cid = lax.axis_index("c")
    sid = lax.axis_index("s")
    wid = sid * _NC + cid
    pbase = wid * _CHUNK

    pltpu.sync_copy(idx_hbm.at[pl.ds(pbase, _CHUNK)], idx_v)
    pltpu.sync_copy(off_hbm, off_v)

    def _add(i, carry):
        c = i * 16
        idx_v[pl.ds(c, 16)] = idx_v[pl.ds(c, 16)] + off_v[pl.ds(c, 16)]
        return carry

    lax.fori_loop(0, _CHUNK // 16, _add, 0)

    def _fire(j, carry):
        ids = idx_v.at[pl.ds(j * 128, 128)]
        pltpu.make_async_copy(
            t1_hbm.at[ids], rows1_v.at[pl.ds(j * 128, 128)], sem1).start()
        pltpu.make_async_copy(
            t2_hbm.at[ids], rows2_v.at[pl.ds(j * 128, 128)], sem2).start()
        return carry

    lax.fori_loop(0, _JR, _fire, 0)

    def _drain(j, carry):
        ids = idx_v.at[pl.ds(j * 128, 128)]
        pltpu.make_async_copy(
            t1_hbm.at[ids], rows1_v.at[pl.ds(j * 128, 128)], sem1).wait()
        pltpu.make_async_copy(
            t2_hbm.at[ids], rows2_v.at[pl.ds(j * 128, 128)], sem2).wait()
        return carry

    lax.fori_loop(0, _JR, _drain, 0)

    pltpu.sync_copy(rows1_v, out1_hbm.at[pl.ds(pbase, _CHUNK)])
    pltpu.sync_copy(rows2_v, out2_hbm.at[pl.ds(pbase, _CHUNK)])


def _sc_gather(idx2d, offs, t1f, t2f):
    mesh = plsc.VectorSubcoreMesh(core_axis_name="c", subcore_axis_name="s")
    f = pl.kernel(
        _sc_body,
        out_type=(
            jax.ShapeDtypeStruct((_P, _D), jnp.float32),
            jax.ShapeDtypeStruct((_P, _D), jnp.float32),
        ),
        mesh=mesh,
        scratch_types=[
            pltpu.VMEM((_CHUNK,), jnp.int32),
            pltpu.VMEM((_CHUNK,), jnp.int32),
            pltpu.VMEM((_CHUNK, _D), jnp.float32),
            pltpu.VMEM((_CHUNK, _D), jnp.float32),
            pltpu.SemaphoreType.DMA,
            pltpu.SemaphoreType.DMA,
        ],
        compiler_params=pltpu.CompilerParams(use_tc_tiling_on_sc=False),
    )
    return f(idx2d, offs, t1f, t2f)



def _tc_body(xid_ref, xv13_ref, xv27_ref, g1_ref, g2_ref,
             w1f_ref, b1f_ref, w2f_ref, b2f_ref,
             w1td_ref, w1ts_ref, l1b_ref, bn1g_ref, bn1b_ref,
             w2t_ref, l2b_ref, bn2g_ref, bn2b_ref, bias_ref,
             out_ref, hbuf):
    i = pl.program_id(0)

    xid = xid_ref[...]
    xv13 = xv13_ref[...]
    xv27 = xv27_ref[...]
    g1 = g1_ref[...]
    g2 = g2_ref[...]

    c208 = lax.broadcasted_iota(jnp.int32, (_FD, _CD), 1)
    f208 = lax.broadcasted_iota(jnp.int32, (_FD, _CD), 0)
    r208 = (c208 // _D == f208).astype(jnp.float32)
    c432 = lax.broadcasted_iota(jnp.int32, (_FS, _CS), 1)
    f432 = lax.broadcasted_iota(jnp.int32, (_FS, _CS), 0)
    r432 = (c432 // _D == f432).astype(jnp.float32)
    cc208 = lax.broadcasted_iota(jnp.int32, (_CD, _D), 0)
    dd208 = lax.broadcasted_iota(jnp.int32, (_CD, _D), 1)
    s208 = (cc208 % _D == dd208).astype(jnp.float32)
    cc432 = lax.broadcasted_iota(jnp.int32, (_CS, _D), 0)
    dd432 = lax.broadcasted_iota(jnp.int32, (_CS, _D), 1)
    s432 = (cc432 % _D == dd432).astype(jnp.float32)

    dot = functools.partial(jnp.dot, preferred_element_type=jnp.float32)

    xidr = dot(xid, r208)
    xvrd = dot(xv13, r208)
    xvrs = dot(xv27, r432)

    e1d = (xidr * w1f_ref[...] + b1f_ref[...]) * xvrd
    e2d = (xidr * w2f_ref[...] + b2f_ref[...]) * xvrd
    e1s = g1 * xvrs
    e2s = g2 * xvrs

    fm1 = (jnp.sum(e1d, axis=1, keepdims=True)
           + jnp.sum(e1s, axis=1, keepdims=True))

    s = dot(e2d, s208) + dot(e2s, s432)
    sq = dot(e2d * e2d, s208) + dot(e2s * e2s, s432)
    sec = 0.5 * jnp.sum(s * s - sq, axis=1, keepdims=True)

    h = dot(e2d, w1td_ref[...]) + dot(e2s, w1ts_ref[...]) + l1b_ref[...]
    hbuf[pl.ds(i * _TN, _TN), :] = h

    out_ref[pl.ds(i * _TN, _TN), :] = fm1 + sec + bias_ref[...]

    @pl.when(i == _GRID - 1)
    def _finish():
        hall = hbuf[...]
        mu1 = jnp.mean(hall, axis=0, keepdims=True)
        var1 = jnp.mean((hall - mu1) * (hall - mu1), axis=0, keepdims=True)
        h1 = bn1g_ref[...] * (hall - mu1) / jnp.sqrt(var1 + 1e-5) + bn1b_ref[...]
        h2 = jnp.dot(h1, w2t_ref[...], preferred_element_type=jnp.float32) + l2b_ref[...]
        mu2 = jnp.mean(h2, axis=0, keepdims=True)
        var2 = jnp.mean((h2 - mu2) * (h2 - mu2), axis=0, keepdims=True)
        h2n = bn2g_ref[...] * (h2 - mu2) / jnp.sqrt(var2 + 1e-5) + bn2b_ref[...]
        out_ref[...] = out_ref[...] + jnp.sum(h2n, axis=1, keepdims=True)


def _tc_compute(xid, xv13, xv27, g1, g2, w1f, b1f, w2f, b2f,
                w1td, w1ts, l1b, bn1g, bn1b, w2t, l2b, bn2g, bn2b, bias2d):
    row_blk = lambda c: pl.BlockSpec((_TN, c), lambda i: (i, 0))
    full_blk = lambda r, c: pl.BlockSpec((r, c), lambda i: (0, 0))
    return pl.pallas_call(
        _tc_body,
        grid=(_GRID,),
        in_specs=[
            row_blk(_FD), row_blk(_FD), row_blk(_FS),
            row_blk(_CS), row_blk(_CS),
            full_blk(1, _CD), full_blk(1, _CD), full_blk(1, _CD), full_blk(1, _CD),
            full_blk(_CD, 32), full_blk(_CS, 32), full_blk(1, 32),
            full_blk(1, 32), full_blk(1, 32),
            full_blk(32, 32), full_blk(1, 32), full_blk(1, 32), full_blk(1, 32),
            row_blk(1),
        ],
        out_specs=pl.BlockSpec((_N, 1), lambda i: (0, 0)),
        out_shape=jax.ShapeDtypeStruct((_N, 1), jnp.float32),
        scratch_shapes=[pltpu.VMEM((_N, 32), jnp.float32)],
    )(xid, xv13, xv27, g1, g2, w1f, b1f, w2f, b2f,
      w1td, w1ts, l1b, bn1g, bn1b, w2t, l2b, bn2g, bn2b, bias2d)



def kernel(Xi, Xv, W1d, b1d, T1, W2d, b2d, T2, lin1_W, lin1_b,
           bn1_g, bn1_b, lin2_W, lin2_b, bn2_g, bn2_b, bias):
    xid = Xi[:, :_FD, 0].astype(jnp.float32)
    idx2d = Xi[:, _FD:, 0].astype(jnp.int32).reshape(_P)
    offs = (jnp.arange(_CHUNK, dtype=jnp.int32) % _FS) * _V
    t1f = T1.reshape(_FS * _V, _D)
    t2f = T2.reshape(_FS * _V, _D)

    g1, g2 = _sc_gather(idx2d, offs, t1f, t2f)
    g1 = g1.reshape(_N, _CS)
    g2 = g2.reshape(_N, _CS)

    xv13 = Xv[:, :_FD]
    xv27 = Xv[:, _FD:]
    w1f = W1d.reshape(1, _CD)
    b1f = b1d.reshape(1, _CD)
    w2f = W2d.reshape(1, _CD)
    b2f = b2d.reshape(1, _CD)
    w1td = lin1_W[:, :_CD].T
    w1ts = lin1_W[:, _CD:].T
    l1b = lin1_b.reshape(1, 32)
    w2t = lin2_W.T
    l2b = lin2_b.reshape(1, 32)
    out = _tc_compute(xid, xv13, xv27, g1, g2, w1f, b1f, w2f, b2f,
                      w1td, w1ts, l1b, bn1_g.reshape(1, 32), bn1_b.reshape(1, 32),
                      w2t, l2b, bn2_g.reshape(1, 32), bn2_b.reshape(1, 32),
                      bias.reshape(_N, 1))
    return out.reshape(_N)

# --- scband reference (transcript-rebuilt; emitter-appended) ---
"""Pipeline reference for scband-deep-fm-16406775070798 (READ-ONLY COPY).

The authoritative reference and input builder live on the scoring server;
editing this copy changes nothing except your own understanding.
"""

import jax, jax.numpy as jnp
import numpy as np

N = 4096
F = 40
V = 100000
D = 16
H1 = 32
H2 = 32
DEEP_IN = F * D


def setup_inputs(seed: int = 0):
    key = jax.random.key(seed)
    ks = jax.random.split(key, 12)
    inp = {}
    inp["Xi"] = jax.random.randint(ks[0], (N, F, 1), 0, V)
    inp["Xv"] = jax.random.uniform(ks[1], (N, F), dtype=jnp.float32)
    inp["W1d"] = jax.random.normal(ks[2], (13, D), dtype=jnp.float32) * 0.02
    inp["b1d"] = jnp.zeros((13, D), dtype=jnp.float32)
    inp["T1"] = jax.random.normal(ks[3], (27, V, D), dtype=jnp.float32) * 0.02
    inp["W2d"] = jax.random.normal(ks[4], (13, D), dtype=jnp.float32) * 0.02
    inp["b2d"] = jnp.zeros((13, D), dtype=jnp.float32)
    inp["T2"] = jax.random.normal(ks[5], (27, V, D), dtype=jnp.float32) * 0.02
    inp["lin1_W"] = jax.random.normal(ks[6], (H1, DEEP_IN), dtype=jnp.float32) * (1.0 / np.sqrt(DEEP_IN))
    inp["lin1_b"] = jnp.zeros((H1,), dtype=jnp.float32)
    inp["bn1_g"] = jnp.ones((H1,), dtype=jnp.float32)
    inp["bn1_b"] = jnp.zeros((H1,), dtype=jnp.float32)
    inp["lin2_W"] = jax.random.normal(ks[7], (H2, H1), dtype=jnp.float32) * (1.0 / np.sqrt(H1))
    inp["lin2_b"] = jnp.zeros((H2,), dtype=jnp.float32)
    inp["bn2_g"] = jnp.ones((H2,), dtype=jnp.float32)
    inp["bn2_b"] = jnp.zeros((H2,), dtype=jnp.float32)
    inp["bias"] = jax.random.normal(ks[8], (N,), dtype=jnp.float32)
    return inp


def _batchnorm(x, g, b):
    mu = jnp.mean(x, axis=0)
    var = jnp.var(x, axis=0)
    return g * (x - mu) / jnp.sqrt(var + 1e-5) + b


def reference(Xi, Xv, W1d, b1d, T1, W2d, b2d, T2, lin1_W, lin1_b, bn1_g, bn1_b, lin2_W, lin2_b, bn2_g, bn2_b, bias):
    n = Xi.shape[0]
    Xi_d = Xi[:, :13, 0].astype(jnp.float32)
    idx = Xi[:, 13:, 0]
    gather = jax.vmap(lambda t, i: jnp.take(t, i, axis=0), in_axes=(0, 1), out_axes=1)
    # first-order FM embeddings (dense fields via per-field Linear(1, D), sparse via table lookup)
    e1d = Xi_d[:, :, None] * W1d[None, :, :] + b1d[None, :, :]
    e1s = gather(T1, idx)
    e1 = jnp.concatenate([e1d, e1s], axis=1) * Xv[:, :, None]
    fm_first_all = e1.reshape(n, -1)
    # second-order FM embeddings
    e2d = Xi_d[:, :, None] * W2d[None, :, :] + b2d[None, :, :]
    e2s = gather(T2, idx)
    e2 = jnp.concatenate([e2d, e2s], axis=1) * Xv[:, :, None]
    s = jnp.sum(e2, axis=1)
    second_order = (s * s - jnp.sum(e2 * e2, axis=1)) * 0.5
    # deep part (dropout is identity in eval; batchnorm uses batch statistics)
    deep = e2.reshape(n, -1)
    h = deep @ lin1_W.T + lin1_b
    h = _batchnorm(h, bn1_g, bn1_b)
    h = h @ lin2_W.T + lin2_b
    h = _batchnorm(h, bn2_g, bn2_b)
    total = jnp.sum(fm_first_all, axis=1) + jnp.sum(second_order, axis=1) + jnp.sum(h, axis=1) + bias
    return total

if __name__ == "__main__":
    import jax
    _d = setup_inputs()
    print(jax.jit(kernel)(*tuple(_d.values())))

</pallas_src>

<mosaic_0001>
#map = affine_map<(d0, d1) -> (0)>
#map1 = affine_map<(d0, d1) -> (0, 0)>
module attributes {stable_mosaic.version = 14 : i64} {
  func.func @_sc_body(%arg0: i32, %arg1: i32, %arg2: memref<110592xi32, #tpu.memory_space<hbm>>, %arg3: memref<3456xi32, #tpu.memory_space<hbm>>, %arg4: memref<2700000x16xf32, #tpu.memory_space<hbm>>, %arg5: memref<2700000x16xf32, #tpu.memory_space<hbm>>, %arg6: memref<110592x16xf32, #tpu.memory_space<hbm>>, %arg7: memref<110592x16xf32, #tpu.memory_space<hbm>>, %arg8: memref<3456xi32, #tpu.memory_space<vmem>>, %arg9: memref<3456xi32, #tpu.memory_space<vmem>>, %arg10: memref<3456x16xf32, #tpu.memory_space<vmem>>, %arg11: memref<3456x16xf32, #tpu.memory_space<vmem>>, %arg12: memref<!tpu.dma_semaphore, #tpu.memory_space<semaphore_mem>>, %arg13: memref<!tpu.dma_semaphore, #tpu.memory_space<semaphore_mem>>) attributes {dimension_semantics = [#tpu.dimension_semantics<core_parallel>, #tpu.dimension_semantics<subcore_parallel>], iteration_bounds = array<i64: 2, 16>, scalar_prefetch = 0 : i64, scratch_operands = 6 : i64, tpu.core_type = #tpu.core_type<sc_vector_subcore>, window_params = [{transform_indices = #map}, {transform_indices = #map}, {transform_indices = #map1}, {transform_indices = #map1}, {transform_indices = #map1}, {transform_indices = #map1}]} {
    %mul3A = arith.constant 2 : i32
    %mul3A_0 = arith.muli %arg1, %mul3A : i32
    %add3A = arith.addi %mul3A_0, %arg0 : i32
    %mul3A_1 = arith.constant 3456 : i32
    %mul3A_2 = arith.muli %add3A, %mul3A_1 : i32
    "tpu.region"() ({
      %run_scoped3A = tpu.sem_alloc : memref<!tpu.dma_semaphore, #tpu.memory_space<semaphore_mem>>
      %dma_start3A = tpu.memref_slice %arg2[%mul3A_2] : memref<110592xi32, #tpu.memory_space<hbm>> -> memref<3456xi32, #tpu.memory_space<hbm>>
      %dma_start3A_20 = tpu.memref_slice %arg2[%mul3A_2] : memref<110592xi32, #tpu.memory_space<hbm>> -> memref<3456xi32, #tpu.memory_space<hbm>>
      tpu.enqueue_dma source(%dma_start3A_20 : memref<3456xi32, #tpu.memory_space<hbm>>) target(%arg8 : memref<3456xi32, #tpu.memory_space<vmem>>) target_semaphore(%run_scoped3A : memref<!tpu.dma_semaphore, #tpu.memory_space<semaphore_mem>>)
      %dma_wait3A = tpu.memref_slice %arg2[%mul3A_2] : memref<110592xi32, #tpu.memory_space<hbm>> -> memref<3456xi32, #tpu.memory_space<hbm>>
      %dma_wait3A_21 = tpu.memref_slice %arg2[%mul3A_2] : memref<110592xi32, #tpu.memory_space<hbm>> -> memref<3456xi32, #tpu.memory_space<hbm>>
      tpu.wait_dma2 semaphore(%run_scoped3A : memref<!tpu.dma_semaphore, #tpu.memory_space<semaphore_mem>>) src(%dma_wait3A_21 : memref<3456xi32, #tpu.memory_space<hbm>>) dst(%arg8 : memref<3456xi32, #tpu.memory_space<vmem>>)
      tpu.yield
    }) : () -> ()
    "tpu.region"() ({
      %run_scoped3A = tpu.sem_alloc : memref<!tpu.dma_semaphore, #tpu.memory_space<semaphore_mem>>
      tpu.enqueue_dma source(%arg3 : memref<3456xi32, #tpu.memory_space<hbm>>) target(%arg9 : memref<3456xi32, #tpu.memory_space<vmem>>) target_semaphore(%run_scoped3A : memref<!tpu.dma_semaphore, #tpu.memory_space<semaphore_mem>>)
      tpu.wait_dma2 semaphore(%run_scoped3A : memref<!tpu.dma_semaphore, #tpu.memory_space<semaphore_mem>>) src(%arg3 : memref<3456xi32, #tpu.memory_space<hbm>>) dst(%arg9 : memref<3456xi32, #tpu.memory_space<vmem>>)
      tpu.yield
    }) : () -> ()
    %scan3A = arith.constant 0 : i32
    %scan3A_3 = arith.constant 0 : i32
    %scan3A_4 = arith.constant 216 : i32
    %scan3A_5 = arith.addi %scan3A_3, %scan3A_4 : i32
    %scan3A_6 = arith.constant 1 : i32
    scf.for %scan3A_20 = %scan3A_3 to %scan3A_5 step %scan3A_6  : i32 {
      %mul3A_21 = arith.constant 16 : i32
      %mul3A_22 = arith.muli %scan3A_20, %mul3A_21 : i32
      %get3A = arith.index_cast %mul3A_22 : i32 to index
      %get3A_23 = tpu.vector_load %arg8[%get3A] {strides = array<i32>} : memref<3456xi32, #tpu.memory_space<vmem>>, vector<16xi32>,
      %get3A_24 = vector.shape_cast %get3A_23 : vector<16xi32> to vector<16xi32>
      %get3A_25 = arith.index_cast %mul3A_22 : i32 to index
      %get3A_26 = tpu.vector_load %arg9[%get3A_25] {strides = array<i32>} : memref<3456xi32, #tpu.memory_space<vmem>>, vector<16xi32>,
      %get3A_27 = vector.shape_cast %get3A_26 : vector<16xi32> to vector<16xi32>
      %add3A_28 = arith.addi %get3A_24, %get3A_27 : vector<16xi32>
      %swap3A = arith.index_cast %mul3A_22 : i32 to index
      %swap3A_29 = tpu.vector_load %arg8[%swap3A] {strides = array<i32>} : memref<3456xi32, #tpu.memory_space<vmem>>, vector<16xi32>,
      %swap3A_30 = vector.shape_cast %swap3A_29 : vector<16xi32> to vector<16xi32>
      %swap3A_31 = vector.shape_cast %add3A_28 : vector<16xi32> to vector<16xi32>
      tpu.vector_store %arg8[%swap3A], %swap3A_31 {strides = array<i32>} : memref<3456xi32, #tpu.memory_space<vmem>>, vector<16xi32>,
    }
    %scan3A_7 = arith.constant 216 : i32
    %scan3A_8 = arith.constant 0 : i32
    %scan3A_9 = arith.constant 0 : i32
    %scan3A_10 = arith.constant 27 : i32
    %scan3A_11 = arith.addi %scan3A_9, %scan3A_10 : i32
    %scan3A_12 = arith.constant 1 : i32
    scf.for %scan3A_20 = %scan3A_9 to %scan3A_11 step %scan3A_12  : i32 {
      %mul3A_21 = arith.constant 128 : i32
      %mul3A_22 = arith.muli %scan3A_20, %mul3A_21 : i32
      %mul3A_23 = arith.constant 128 : i32
      %mul3A_24 = arith.muli %scan3A_20, %mul3A_23 : i32
      %dma_start3A = arith.constant 0 : i32
      %dma_start3A_25 = tpu.memref_slice %arg10[%mul3A_24, %dma_start3A] : memref<3456x16xf32, #tpu.memory_space<vmem>> -> memref<128x16xf32, #tpu.memory_space<vmem>>
      %dma_start3A_26 = tpu.memref_slice %arg8[%mul3A_22] : memref<3456xi32, #tpu.memory_space<vmem>> -> memref<128xi32, #tpu.memory_space<vmem>>
      %dma_start3A_27 = arith.constant 0 : i32
      %dma_start3A_28 = arith.constant 0 : i32
      %dma_start3A_29 = tpu.memref_slice %arg4[%dma_start3A_27, %dma_start3A_28] : memref<2700000x16xf32, #tpu.memory_space<hbm>> -> memref<2700000x16xf32, #tpu.memory_space<hbm>>
      tpu.enqueue_indirect_dma source(%dma_start3A_29 : memref<2700000x16xf32, #tpu.memory_space<hbm>>) target(%dma_start3A_25 : memref<128x16xf32, #tpu.memory_space<vmem>>) offsets(%dma_start3A_26 : memref<128xi32, #tpu.memory_space<vmem>>) semaphore(%arg12 : memref<!tpu.dma_semaphore, #tpu.memory_space<semaphore_mem>>)
      %mul3A_30 = arith.constant 128 : i32
      %mul3A_31 = arith.muli %scan3A_20, %mul3A_30 : i32
      %dma_start3A_32 = arith.constant 0 : i32
      %dma_start3A_33 = tpu.memref_slice %arg11[%mul3A_31, %dma_start3A_32] : memref<3456x16xf32, #tpu.memory_space<vmem>> -> memref<128x16xf32, #tpu.memory_space<vmem>>
      %dma_start3A_34 = tpu.memref_slice %arg8[%mul3A_22] : memref<3456xi32, #tpu.memory_space<vmem>> -> memref<128xi32, #tpu.memory_space<vmem>>
      %dma_start3A_35 = arith.constant 0 : i32
      %dma_start3A_36 = arith.constant 0 : i32
      %dma_start3A_37 = tpu.memref_slice %arg5[%dma_start3A_35, %dma_start3A_36] : memref<2700000x16xf32, #tpu.memory_space<hbm>> -> memref<2700000x16xf32, #tpu.memory_space<hbm>>
      tpu.enqueue_indirect_dma source(%dma_start3A_37 : memref<2700000x16xf32, #tpu.memory_space<hbm>>) target(%dma_start3A_33 : memref<128x16xf32, #tpu.memory_space<vmem>>) offsets(%dma_start3A_34 : memref<128xi32, #tpu.memory_space<vmem>>) semaphore(%arg13 : memref<!tpu.dma_semaphore, #tpu.memory_space<semaphore_mem>>)
    }
    %scan3A_13 = arith.constant 27 : i32
    %scan3A_14 = arith.constant 0 : i32
    %scan3A_15 = arith.constant 0 : i32
    %scan3A_16 = arith.constant 27 : i32
    %scan3A_17 = arith.addi %scan3A_15, %scan3A_16 : i32
    %scan3A_18 = arith.constant 1 : i32
    scf.for %scan3A_20 = %scan3A_15 to %scan3A_17 step %scan3A_18  : i32 {
      %mul3A_21 = arith.constant 128 : i32
      %mul3A_22 = arith.muli %scan3A_20, %mul3A_21 : i32
      %mul3A_23 = arith.constant 128 : i32
      %mul3A_24 = arith.muli %scan3A_20, %mul3A_23 : i32
      %dma_wait3A = arith.constant 0 : i32
      %dma_wait3A_25 = tpu.memref_slice %arg10[%mul3A_24, %dma_wait3A] : memref<3456x16xf32, #tpu.memory_space<vmem>> -> memref<128x16xf32, #tpu.memory_space<vmem>>
      %dma_wait3A_26 = tpu.memref_slice %arg8[%mul3A_22] : memref<3456xi32, #tpu.memory_space<vmem>> -> memref<128xi32, #tpu.memory_space<vmem>>
      %dma_wait3A_27 = arith.constant 0 : i32
      %dma_wait3A_28 = arith.constant 0 : i32
      %dma_wait3A_29 = tpu.memref_slice %arg4[%dma_wait3A_27, %dma_wait3A_28] : memref<2700000x16xf32, #tpu.memory_space<hbm>> -> memref<2700000x16xf32, #tpu.memory_space<hbm>>
      tpu.wait_indirect_dma semaphore(%arg12 : memref<!tpu.dma_semaphore, #tpu.memory_space<semaphore_mem>>) src(%dma_wait3A_29 : memref<2700000x16xf32, #tpu.memory_space<hbm>>) dst(%dma_wait3A_25 : memref<128x16xf32, #tpu.memory_space<vmem>>)
      %mul3A_30 = arith.constant 128 : i32
      %mul3A_31 = arith.muli %scan3A_20, %mul3A_30 : i32
      %dma_wait3A_32 = arith.constant 0 : i32
      %dma_wait3A_33 = tpu.memref_slice %arg11[%mul3A_31, %dma_wait3A_32] : memref<3456x16xf32, #tpu.memory_space<vmem>> -> memref<128x16xf32, #tpu.memory_space<vmem>>
      %dma_wait3A_34 = tpu.memref_slice %arg8[%mul3A_22] : memref<3456xi32, #tpu.memory_space<vmem>> -> memref<128xi32, #tpu.memory_space<vmem>>
      %dma_wait3A_35 = arith.constant 0 : i32
      %dma_wait3A_36 = arith.constant 0 : i32
      %dma_wait3A_37 = tpu.memref_slice %arg5[%dma_wait3A_35, %dma_wait3A_36] : memref<2700000x16xf32, #tpu.memory_space<hbm>> -> memref<2700000x16xf32, #tpu.memory_space<hbm>>
      tpu.wait_indirect_dma semaphore(%arg13 : memref<!tpu.dma_semaphore, #tpu.memory_space<semaphore_mem>>) src(%dma_wait3A_37 : memref<2700000x16xf32, #tpu.memory_space<hbm>>) dst(%dma_wait3A_33 : memref<128x16xf32, #tpu.memory_space<vmem>>)
    }
    %scan3A_19 = arith.constant 27 : i32
    "tpu.region"() ({
      %run_scoped3A = tpu.sem_alloc : memref<!tpu.dma_semaphore, #tpu.memory_space<semaphore_mem>>
      %dma_start3A = arith.constant 0 : i32
      %dma_start3A_20 = tpu.memref_slice %arg6[%mul3A_2, %dma_start3A] : memref<110592x16xf32, #tpu.memory_space<hbm>> -> memref<3456x16xf32, #tpu.memory_space<hbm>>
      %dma_start3A_21 = arith.constant 0 : i32
      %dma_start3A_22 = tpu.memref_slice %arg6[%mul3A_2, %dma_start3A_21] : memref<110592x16xf32, #tpu.memory_space<hbm>> -> memref<3456x16xf32, #tpu.memory_space<hbm>>
      tpu.enqueue_dma source(%arg10 : memref<3456x16xf32, #tpu.memory_space<vmem>>) target(%dma_start3A_22 : memref<3456x16xf32, #tpu.memory_space<hbm>>) target_semaphore(%run_scoped3A : memref<!tpu.dma_semaphore, #tpu.memory_space<semaphore_mem>>)
      %dma_wait3A = arith.constant 0 : i32
      %dma_wait3A_23 = tpu.memref_slice %arg6[%mul3A_2, %dma_wait3A] : memref<110592x16xf32, #tpu.memory_space<hbm>> -> memref<3456x16xf32, #tpu.memory_space<hbm>>
      %dma_wait3A_24 = arith.constant 0 : i32
      %dma_wait3A_25 = tpu.memref_slice %arg6[%mul3A_2, %dma_wait3A_24] : memref<110592x16xf32, #tpu.memory_space<hbm>> -> memref<3456x16xf32, #tpu.memory_space<hbm>>
      tpu.wait_dma2 semaphore(%run_scoped3A : memref<!tpu.dma_semaphore, #tpu.memory_space<semaphore_mem>>) src(%arg10 : memref<3456x16xf32, #tpu.memory_space<vmem>>) dst(%dma_wait3A_25 : memref<3456x16xf32, #tpu.memory_space<hbm>>)
      tpu.yield
    }) : () -> ()
    "tpu.region"() ({
      %run_scoped3A = tpu.sem_alloc : memref<!tpu.dma_semaphore, #tpu.memory_space<semaphore_mem>>
      %dma_start3A = arith.constant 0 : i32
      %dma_start3A_20 = tpu.memref_slice %arg7[%mul3A_2, %dma_start3A] : memref<110592x16xf32, #tpu.memory_space<hbm>> -> memref<3456x16xf32, #tpu.memory_space<hbm>>
      %dma_start3A_21 = arith.constant 0 : i32
      %dma_start3A_22 = tpu.memref_slice %arg7[%mul3A_2, %dma_start3A_21] : memref<110592x16xf32, #tpu.memory_space<hbm>> -> memref<3456x16xf32, #tpu.memory_space<hbm>>
      tpu.enqueue_dma source(%arg11 : memref<3456x16xf32, #tpu.memory_space<vmem>>) target(%dma_start3A_22 : memref<3456x16xf32, #tpu.memory_space<hbm>>) target_semaphore(%run_scoped3A : memref<!tpu.dma_semaphore, #tpu.memory_space<semaphore_mem>>)
      %dma_wait3A = arith.constant 0 : i32
      %dma_wait3A_23 = tpu.memref_slice %arg7[%mul3A_2, %dma_wait3A] : memref<110592x16xf32, #tpu.memory_space<hbm>> -> memref<3456x16xf32, #tpu.memory_space<hbm>>
      %dma_wait3A_24 = arith.constant 0 : i32
      %dma_wait3A_25 = tpu.memref_slice %arg7[%mul3A_2, %dma_wait3A_24] : memref<110592x16xf32, #tpu.memory_space<hbm>> -> memref<3456x16xf32, #tpu.memory_space<hbm>>
      tpu.wait_dma2 semaphore(%run_scoped3A : memref<!tpu.dma_semaphore, #tpu.memory_space<semaphore_mem>>) src(%arg11 : memref<3456x16xf32, #tpu.memory_space<vmem>>) dst(%dma_wait3A_25 : memref<3456x16xf32, #tpu.memory_space<hbm>>)
      tpu.yield
    }) : () -> ()
    return
  }
}

module attributes {stable_mosaic.version = 14 : i64} {
  func.func @_tc_body(%arg0: i32, %arg1: memref<512x13xf32, #tpu.memory_space<vmem>>, %arg2: memref<512x13xf32, #tpu.memory_space<vmem>>, %arg3: memref<512x27xf32, #tpu.memory_space<vmem>>, %arg4: memref<512x432xf32, #tpu.memory_space<vmem>>, %arg5: memref<512x432xf32, #tpu.memory_space<vmem>>, %arg6: memref<1x208xf32, #tpu.memory_space<vmem>>, %arg7: memref<1x208xf32, #tpu.memory_space<vmem>>, %arg8: memref<1x208xf32, #tpu.memory_space<vmem>>, %arg9: memref<1x208xf32, #tpu.memory_space<vmem>>, %arg10: memref<208x32xf32, #tpu.memory_space<vmem>>, %arg11: memref<432x32xf32, #tpu.memory_space<vmem>>, %arg12: memref<1x32xf32, #tpu.memory_space<vmem>>, %arg13: memref<1x32xf32, #tpu.memory_space<vmem>>, %arg14: memref<1x32xf32, #tpu.memory_space<vmem>>, %arg15: memref<32x32xf32, #tpu.memory_space<vmem>>, %arg16: memref<1x32xf32, #tpu.memory_space<vmem>>, %arg17: memref<1x32xf32, #tpu.memory_space<vmem>>, %arg18: memref<1x32xf32, #tpu.memory_space<vmem>>, %arg19: memref<512x1xf32, #tpu.memory_space<vmem>>, %arg20: memref<4096x1xf32, #tpu.memory_space<vmem>>, %arg21: memref<4096x32xf32, #tpu.memory_space<vmem>>) attributes {dimension_semantics = [#tpu.dimension_semantics<arbitrary>], iteration_bounds = array<i64: 8>, scalar_prefetch = 0 : i64, scratch_operands = 1 : i64, tpu.core_type = #tpu.core_type<tc>, window_params = [{transform_indices = @transform_0, window_bounds = array<i64: 512, 13>}, {transform_indices = @transform_1, window_bounds = array<i64: 512, 13>}, {transform_indices = @transform_2, window_bounds = array<i64: 512, 27>}, {transform_indices = @transform_3, window_bounds = array<i64: 512, 432>}, {transform_indices = @transform_4, window_bounds = array<i64: 512, 432>}, {pipeline_mode = #tpu.pipeline_mode<synchronous>, transform_indices = @transform_5, window_bounds = array<i64: 1, 208>}, {pipeline_mode = #tpu.pipeline_mode<synchronous>, transform_indices = @transform_6, window_bounds = array<i64: 1, 208>}, {pipeline_mode = #tpu.pipeline_mode<synchronous>, transform_indices = @transform_7, window_bounds = array<i64: 1, 208>}, {pipeline_mode = #tpu.pipeline_mode<synchronous>, transform_indices = @transform_8, window_bounds = array<i64: 1, 208>}, {pipeline_mode = #tpu.pipeline_mode<synchronous>, transform_indices = @transform_9, window_bounds = array<i64: 208, 32>}, {pipeline_mode = #tpu.pipeline_mode<synchronous>, transform_indices = @transform_10, window_bounds = array<i64: 432, 32>}, {pipeline_mode = #tpu.pipeline_mode<synchronous>, transform_indices = @transform_11, window_bounds = array<i64: 1, 32>}, {pipeline_mode = #tpu.pipeline_mode<synchronous>, transform_indices = @transform_12, window_bounds = array<i64: 1, 32>}, {pipeline_mode = #tpu.pipeline_mode<synchronous>, transform_indices = @transform_13, window_bounds = array<i64: 1, 32>}, {pipeline_mode = #tpu.pipeline_mode<synchronous>, transform_indices = @transform_14, window_bounds = array<i64: 32, 32>}, {pipeline_mode = #tpu.pipeline_mode<synchronous>, transform_indices = @transform_15, window_bounds = array<i64: 1, 32>}, {pipeline_mode = #tpu.pipeline_mode<synchronous>, transform_indices = @transform_16, window_bounds = array<i64: 1, 32>}, {pipeline_mode = #tpu.pipeline_mode<synchronous>, transform_indices = @transform_17, window_bounds = array<i64: 1, 32>}, {transform_indices = @transform_18, window_bounds = array<i64: 512, 1>}, {pipeline_mode = #tpu.pipeline_mode<synchronous>, transform_indices = @transform_19, window_bounds = array<i64: 4096, 1>}]} {
    %get3A = arith.constant 0 : index
    %get3A_0 = arith.constant 0 : index
    %get3A_1 = vector.load %arg1[%get3A, %get3A_0] : memref<512x13xf32, #tpu.memory_space<vmem>>, vector<512x13xf32>
    %get3A_2 = arith.constant 0 : index
    %get3A_3 = arith.constant 0 : index
    %get3A_4 = vector.load %arg2[%get3A_2, %get3A_3] : memref<512x13xf32, #tpu.memory_space<vmem>>, vector<512x13xf32>
    %get3A_5 = arith.constant 0 : index
    %get3A_6 = arith.constant 0 : index
    %get3A_7 = vector.load %arg3[%get3A_5, %get3A_6] : memref<512x27xf32, #tpu.memory_space<vmem>>, vector<512x27xf32>
    %get3A_8 = arith.constant 0 : index
    %get3A_9 = arith.constant 0 : index
    %get3A_10 = vector.load %arg4[%get3A_8, %get3A_9] : memref<512x432xf32, #tpu.memory_space<vmem>>, vector<512x432xf32>
    %get3A_11 = arith.constant 0 : index
    %get3A_12 = arith.constant 0 : index
    %get3A_13 = vector.load %arg5[%get3A_11, %get3A_12] : memref<512x432xf32, #tpu.memory_space<vmem>>, vector<512x432xf32>
    %iota3A = tpu.iota {dimensions = array<i32: 1>} : vector<13x208xi32>
    %iota3A_14 = tpu.iota {dimensions = array<i32: 0>} : vector<13x208xi32>
    %jit3A = arith.constant 16 : i32
    %div3A = vector.broadcast %jit3A : i32 to vector<13x208xi32>
    %div3A_15 = arith.divsi %iota3A, %div3A : vector<13x208xi32>
    %sign3A = arith.constant 0 : i32
    %sign3A_16 = vector.broadcast %sign3A : i32 to vector<13x208xi32>
    %sign3A_17 = arith.cmpi sgt, %iota3A, %sign3A_16 : vector<13x208xi32>
    %sign3A_18 = arith.extui %sign3A_17 : vector<13x208xi1> to vector<13x208xi32>
    %sign3A_19 = arith.constant 0 : i32
    %sign3A_20 = vector.broadcast %sign3A_19 : i32 to vector<13x208xi32>
    %sign3A_21 = arith.cmpi slt, %iota3A, %sign3A_20 : vector<13x208xi32>
    %sign3A_22 = arith.extui %sign3A_21 : vector<13x208xi1> to vector<13x208xi32>
    %sign3A_23 = arith.subi %sign3A_18, %sign3A_22 : vector<13x208xi32>
    %sign3A_24 = arith.constant 0 : i32
    %sign3A_25 = arith.cmpi sgt, %jit3A, %sign3A_24 : i32
    %sign3A_26 = arith.extui %sign3A_25 : i1 to i32
    %sign3A_27 = arith.constant 0 : i32
    %sign3A_28 = arith.cmpi slt, %jit3A, %sign3A_27 : i32
    %sign3A_29 = arith.extui %sign3A_28 : i1 to i32
    %sign3A_30 = arith.subi %sign3A_26, %sign3A_29 : i32
    %ne3A = vector.broadcast %sign3A_30 : i32 to vector<13x208xi32>
    %ne3A_31 = arith.cmpi ne, %sign3A_23, %ne3A : vector<13x208xi32>
    %rem3A = vector.broadcast %jit3A : i32 to vector<13x208xi32>
    %rem3A_32 = arith.remsi %iota3A, %rem3A : vector<13x208xi32>
    %ne3A_33 = arith.constant 0 : i32
    %ne3A_34 = vector.broadcast %ne3A_33 : i32 to vector<13x208xi32>
    %ne3A_35 = arith.cmpi ne, %rem3A_32, %ne3A_34 : vector<13x208xi32>
    %and3A = arith.andi %ne3A_31, %ne3A_35 : vector<13x208xi1>
    %sub3A = arith.constant 1 : i32
    %sub3A_36 = vector.broadcast %sub3A : i32 to vector<13x208xi32>
    %sub3A_37 = arith.subi %div3A_15, %sub3A_36 : vector<13x208xi32>
    %select_n3A = arith.select %and3A, %sub3A_37, %div3A_15 : vector<13x208xi1>, vector<13x208xi32>
    %eq3A = arith.cmpi eq, %select_n3A, %iota3A_14 : vector<13x208xi32>
    %convert_element_type3A = arith.extui %eq3A : vector<13x208xi1> to vector<13x208xi32>
    %convert_element_type3A_38 = arith.sitofp %convert_element_type3A : vector<13x208xi32> to vector<13x208xf32>
    %iota3A_39 = tpu.iota {dimensions = array<i32: 1>} : vector<27x432xi32>
    %iota3A_40 = tpu.iota {dimensions = array<i32: 0>} : vector<27x432xi32>
    %jit3A_41 = arith.constant 16 : i32
    %div3A_42 = vector.broadcast %jit3A_41 : i32 to vector<27x432xi32>
    %div3A_43 = arith.divsi %iota3A_39, %div3A_42 : vector<27x432xi32>
    %sign3A_44 = arith.constant 0 : i32
    %sign3A_45 = vector.broadcast %sign3A_44 : i32 to vector<27x432xi32>
    %sign3A_46 = arith.cmpi sgt, %iota3A_39, %sign3A_45 : vector<27x432xi32>
    %sign3A_47 = arith.extui %sign3A_46 : vector<27x432xi1> to vector<27x432xi32>
    %sign3A_48 = arith.constant 0 : i32
    %sign3A_49 = vector.broadcast %sign3A_48 : i32 to vector<27x432xi32>
    %sign3A_50 = arith.cmpi slt, %iota3A_39, %sign3A_49 : vector<27x432xi32>
    %sign3A_51 = arith.extui %sign3A_50 : vector<27x432xi1> to vector<27x432xi32>
    %sign3A_52 = arith.subi %sign3A_47, %sign3A_51 : vector<27x432xi32>
    %sign3A_53 = arith.constant 0 : i32
    %sign3A_54 = arith.cmpi sgt, %jit3A_41, %sign3A_53 : i32
    %sign3A_55 = arith.extui %sign3A_54 : i1 to i32
    %sign3A_56 = arith.constant 0 : i32
    %sign3A_57 = arith.cmpi slt, %jit3A_41, %sign3A_56 : i32
    %sign3A_58 = arith.extui %sign3A_57 : i1 to i32
    %sign3A_59 = arith.subi %sign3A_55, %sign3A_58 : i32
    %ne3A_60 = vector.broadcast %sign3A_59 : i32 to vector<27x432xi32>
    %ne3A_61 = arith.cmpi ne, %sign3A_52, %ne3A_60 : vector<27x432xi32>
    %rem3A_62 = vector.broadcast %jit3A_41 : i32 to vector<27x432xi32>
    %rem3A_63 = arith.remsi %iota3A_39, %rem3A_62 : vector<27x432xi32>
    %ne3A_64 = arith.constant 0 : i32
    %ne3A_65 = vector.broadcast %ne3A_64 : i32 to vector<27x432xi32>
    %ne3A_66 = arith.cmpi ne, %rem3A_63, %ne3A_65 : vector<27x432xi32>
    %and3A_67 = arith.andi %ne3A_61, %ne3A_66 : vector<27x432xi1>
    %sub3A_68 = arith.constant 1 : i32
    %sub3A_69 = vector.broadcast %sub3A_68 : i32 to vector<27x432xi32>
    %sub3A_70 = arith.subi %div3A_43, %sub3A_69 : vector<27x432xi32>
    %select_n3A_71 = arith.select %and3A_67, %sub3A_70, %div3A_43 : vector<27x432xi1>, vector<27x432xi32>
    %eq3A_72 = arith.cmpi eq, %select_n3A_71, %iota3A_40 : vector<27x432xi32>
    %convert_element_type3A_73 = arith.extui %eq3A_72 : vector<27x432xi1> to vector<27x432xi32>
    %convert_element_type3A_74 = arith.sitofp %convert_element_type3A_73 : vector<27x432xi32> to vector<27x432xf32>
    %iota3A_75 = tpu.iota {dimensions = array<i32: 0>} : vector<208x16xi32>
    %iota3A_76 = tpu.iota {dimensions = array<i32: 1>} : vector<208x16xi32>
    %jit3A_77 = arith.constant 16 : i32
    %eq3A_78 = arith.constant 0 : i32
    %eq3A_79 = arith.cmpi eq, %jit3A_77, %eq3A_78 : i32
    %jit3A_80 = arith.constant 1 : i32
    %select_n3A_81 = arith.select %eq3A_79, %jit3A_80, %jit3A_77 : i32
    %rem3A_82 = vector.broadcast %select_n3A_81 : i32 to vector<208x16xi32>
    %rem3A_83 = arith.remsi %iota3A_75, %rem3A_82 : vector<208x16xi32>
    %ne3A_84 = arith.constant 0 : i32
    %ne3A_85 = vector.broadcast %ne3A_84 : i32 to vector<208x16xi32>
    %ne3A_86 = arith.cmpi ne, %rem3A_83, %ne3A_85 : vector<208x16xi32>
    %lt3A = arith.constant 0 : i32
    %lt3A_87 = vector.broadcast %lt3A : i32 to vector<208x16xi32>
    %lt3A_88 = arith.cmpi slt, %rem3A_83, %lt3A_87 : vector<208x16xi32>
    %lt3A_89 = arith.constant 0 : i32
    %lt3A_90 = arith.cmpi slt, %select_n3A_81, %lt3A_89 : i32
    %ne3A_91 = vector.broadcast %lt3A_90 : i1 to vector<208x16xi1>
    %ne3A_92 = vector.broadcast %ne3A_91 : vector<208x16xi1> to vector<208x16xi1>
    %ne3A_93 = arith.xori %lt3A_88, %ne3A_92 : vector<208x16xi1>
    %and3A_94 = arith.andi %ne3A_93, %ne3A_86 : vector<208x16xi1>
    %add3A = vector.broadcast %select_n3A_81 : i32 to vector<208x16xi32>
    %add3A_95 = arith.addi %rem3A_83, %add3A : vector<208x16xi32>
    %select_n3A_96 = arith.select %and3A_94, %add3A_95, %rem3A_83 : vector<208x16xi1>, vector<208x16xi32>
    %eq3A_97 = arith.cmpi eq, %select_n3A_96, %iota3A_76 : vector<208x16xi32>
    %convert_element_type3A_98 = arith.extui %eq3A_97 : vector<208x16xi1> to vector<208x16xi32>
    %convert_element_type3A_99 = arith.sitofp %convert_element_type3A_98 : vector<208x16xi32> to vector<208x16xf32>
    %iota3A_100 = tpu.iota {dimensions = array<i32: 0>} : vector<432x16xi32>
    %iota3A_101 = tpu.iota {dimensions = array<i32: 1>} : vector<432x16xi32>
    %jit3A_102 = arith.constant 16 : i32
    %eq3A_103 = arith.constant 0 : i32
    %eq3A_104 = arith.cmpi eq, %jit3A_102, %eq3A_103 : i32
    %jit3A_105 = arith.constant 1 : i32
    %select_n3A_106 = arith.select %eq3A_104, %jit3A_105, %jit3A_102 : i32
    %rem3A_107 = vector.broadcast %select_n3A_106 : i32 to vector<432x16xi32>
    %rem3A_108 = arith.remsi %iota3A_100, %rem3A_107 : vector<432x16xi32>
    %ne3A_109 = arith.constant 0 : i32
    %ne3A_110 = vector.broadcast %ne3A_109 : i32 to vector<432x16xi32>
    %ne3A_111 = arith.cmpi ne, %rem3A_108, %ne3A_110 : vector<432x16xi32>
    %lt3A_112 = arith.constant 0 : i32
    %lt3A_113 = vector.broadcast %lt3A_112 : i32 to vector<432x16xi32>
    %lt3A_114 = arith.cmpi slt, %rem3A_108, %lt3A_113 : vector<432x16xi32>
    %lt3A_115 = arith.constant 0 : i32
    %lt3A_116 = arith.cmpi slt, %select_n3A_106, %lt3A_115 : i32
    %ne3A_117 = vector.broadcast %lt3A_116 : i1 to vector<432x16xi1>
    %ne3A_118 = vector.broadcast %ne3A_117 : vector<432x16xi1> to vector<432x16xi1>
    %ne3A_119 = arith.xori %lt3A_114, %ne3A_118 : vector<432x16xi1>
    %and3A_120 = arith.andi %ne3A_119, %ne3A_111 : vector<432x16xi1>
    %add3A_121 = vector.broadcast %select_n3A_106 : i32 to vector<432x16xi32>
    %add3A_122 = arith.addi %rem3A_108, %add3A_121 : vector<432x16xi32>
    %select_n3A_123 = arith.select %and3A_120, %add3A_122, %rem3A_108 : vector<432x16xi1>, vector<432x16xi32>
    %eq3A_124 = arith.cmpi eq, %select_n3A_123, %iota3A_101 : vector<432x16xi32>
    %convert_element_type3A_125 = arith.extui %eq3A_124 : vector<432x16xi1> to vector<432x16xi32>
    %convert_element_type3A_126 = arith.sitofp %convert_element_type3A_125 : vector<432x16xi32> to vector<432x16xf32>
    %dot_general3A = arith.constant dense<0.000000e+00> : vector<512x208xf32>
    %dot_general3A_127 = tpu.matmul %get3A_1, %convert_element_type3A_38, %dot_general3A {dimension_numbers = #tpu.dot_dimension_numbers<[1], [0], [0], [1], [0, 0, 1, 1], [], []>, transpose_lhs_hint = false} : vector<512x13xf32>, vector<13x208xf32>, vector<512x208xf32> -> vector<512x208xf32>
    %dot_general3A_128 = arith.constant dense<0.000000e+00> : vector<512x208xf32>
    %dot_general3A_129 = tpu.matmul %get3A_4, %convert_element_type3A_38, %dot_general3A_128 {dimension_numbers = #tpu.dot_dimension_numbers<[1], [0], [0], [1], [0, 0, 1, 1], [], []>, transpose_lhs_hint = false} : vector<512x13xf32>, vector<13x208xf32>, vector<512x208xf32> -> vector<512x208xf32>
    %dot_general3A_130 = arith.constant dense<0.000000e+00> : vector<512x432xf32>
    %dot_general3A_131 = tpu.matmul %get3A_7, %convert_element_type3A_74, %dot_general3A_130 {dimension_numbers = #tpu.dot_dimension_numbers<[1], [0], [0], [1], [0, 0, 1, 1], [], []>, transpose_lhs_hint = false} : vector<512x27xf32>, vector<27x432xf32>, vector<512x432xf32> -> vector<512x432xf32>
    %get3A_132 = arith.constant 0 : index
    %get3A_133 = arith.constant 0 : index
    %get3A_134 = vector.load %arg6[%get3A_132, %get3A_133] : memref<1x208xf32, #tpu.memory_space<vmem>>, vector<1x208xf32>
    %mul3A = vector.broadcast %get3A_134 : vector<1x208xf32> to vector<512x208xf32>
    %mul3A_135 = arith.mulf %dot_general3A_127, %mul3A : vector<512x208xf32>
    %get3A_136 = arith.constant 0 : index
    %get3A_137 = arith.constant 0 : index
    %get3A_138 = vector.load %arg7[%get3A_136, %get3A_137] : memref<1x208xf32, #tpu.memory_space<vmem>>, vector<1x208xf32>
    %add3A_139 = vector.broadcast %get3A_138 : vector<1x208xf32> to vector<512x208xf32>
    %add3A_140 = arith.addf %mul3A_135, %add3A_139 : vector<512x208xf32>
    %mul3A_141 = arith.mulf %add3A_140, %dot_general3A_129 : vector<512x208xf32>
    %get3A_142 = arith.constant 0 : index
    %get3A_143 = arith.constant 0 : index
    %get3A_144 = vector.load %arg8[%get3A_142, %get3A_143] : memref<1x208xf32, #tpu.memory_space<vmem>>, vector<1x208xf32>
    %mul3A_145 = vector.broadcast %get3A_144 : vector<1x208xf32> to vector<512x208xf32>
    %mul3A_146 = arith.mulf %dot_general3A_127, %mul3A_145 : vector<512x208xf32>
    %get3A_147 = arith.constant 0 : index
    %get3A_148 = arith.constant 0 : index
    %get3A_149 = vector.load %arg9[%get3A_147, %get3A_148] : memref<1x208xf32, #tpu.memory_space<vmem>>, vector<1x208xf32>
    %add3A_150 = vector.broadcast %get3A_149 : vector<1x208xf32> to vector<512x208xf32>
    %add3A_151 = arith.addf %mul3A_146, %add3A_150 : vector<512x208xf32>
    %mul3A_152 = arith.mulf %add3A_151, %dot_general3A_129 : vector<512x208xf32>
    %mul3A_153 = arith.mulf %get3A_10, %dot_general3A_131 : vector<512x432xf32>
    %mul3A_154 = arith.mulf %get3A_13, %dot_general3A_131 : vector<512x432xf32>
    %reduce_sum3A = arith.constant dense<0.000000e+00> : vector<512xf32>
    %reduce_sum3A_155 = vector.multi_reduction <add>, %mul3A_141, %reduce_sum3A [1] : vector<512x208xf32> to vector<512xf32>
    %broadcast_in_dim3A = vector.shape_cast %reduce_sum3A_155 : vector<512xf32> to vector<512x1xf32>
    %reduce_sum3A_156 = arith.constant dense<0.000000e+00> : vector<512xf32>
    %reduce_sum3A_157 = vector.multi_reduction <add>, %mul3A_153, %reduce_sum3A_156 [1] : vector<512x432xf32> to vector<512xf32>
    %broadcast_in_dim3A_158 = vector.shape_cast %reduce_sum3A_157 : vector<512xf32> to vector<512x1xf32>
    %add3A_159 = arith.addf %broadcast_in_dim3A, %broadcast_in_dim3A_158 : vector<512x1xf32>
    %dot_general3A_160 = arith.constant dense<0.000000e+00> : vector<512x16xf32>
    %dot_general3A_161 = tpu.matmul %mul3A_152, %convert_element_type3A_99, %dot_general3A_160 {dimension_numbers = #tpu.dot_dimension_numbers<[1], [0], [0], [1], [0, 0, 1, 1], [], []>, transpose_lhs_hint = false} : vector<512x208xf32>, vector<208x16xf32>, vector<512x16xf32> -> vector<512x16xf32>
    %dot_general3A_162 = arith.constant dense<0.000000e+00> : vector<512x16xf32>
    %dot_general3A_163 = tpu.matmul %mul3A_154, %convert_element_type3A_126, %dot_general3A_162 {dimension_numbers = #tpu.dot_dimension_numbers<[1], [0], [0], [1], [0, 0, 1, 1], [], []>, transpose_lhs_hint = false} : vector<512x432xf32>, vector<432x16xf32>, vector<512x16xf32> -> vector<512x16xf32>
    %add3A_164 = arith.addf %dot_general3A_161, %dot_general3A_163 : vector<512x16xf32>
    %mul3A_165 = arith.mulf %mul3A_152, %mul3A_152 : vector<512x208xf32>
    %dot_general3A_166 = arith.constant dense<0.000000e+00> : vector<512x16xf32>
    %dot_general3A_167 = tpu.matmul %mul3A_165, %convert_element_type3A_99, %dot_general3A_166 {dimension_numbers = #tpu.dot_dimension_numbers<[1], [0], [0], [1], [0, 0, 1, 1], [], []>, transpose_lhs_hint = false} : vector<512x208xf32>, vector<208x16xf32>, vector<512x16xf32> -> vector<512x16xf32>
    %mul3A_168 = arith.mulf %mul3A_154, %mul3A_154 : vector<512x432xf32>
    %dot_general3A_169 = arith.constant dense<0.000000e+00> : vector<512x16xf32>
    %dot_general3A_170 = tpu.matmul %mul3A_168, %convert_element_type3A_126, %dot_general3A_169 {dimension_numbers = #tpu.dot_dimension_numbers<[1], [0], [0], [1], [0, 0, 1, 1], [], []>, transpose_lhs_hint = false} : vector<512x432xf32>, vector<432x16xf32>, vector<512x16xf32> -> vector<512x16xf32>
    %add3A_171 = arith.addf %dot_general3A_167, %dot_general3A_170 : vector<512x16xf32>
    %mul3A_172 = arith.mulf %add3A_164, %add3A_164 : vector<512x16xf32>
    %sub3A_173 = arith.subf %mul3A_172, %add3A_171 : vector<512x16xf32>
    %reduce_sum3A_174 = arith.constant dense<0.000000e+00> : vector<512xf32>
    %reduce_sum3A_175 = vector.multi_reduction <add>, %sub3A_173, %reduce_sum3A_174 [1] : vector<512x16xf32> to vector<512xf32>
    %broadcast_in_dim3A_176 = vector.shape_cast %reduce_sum3A_175 : vector<512xf32> to vector<512x1xf32>
    %mul3A_177 = arith.constant 5.000000e-01 : f32
    %mul3A_178 = vector.broadcast %mul3A_177 : f32 to vector<512x1xf32>
    %mul3A_179 = arith.mulf %mul3A_178, %broadcast_in_dim3A_176 : vector<512x1xf32>
    %get3A_180 = arith.constant 0 : index
    %get3A_181 = arith.constant 0 : index
    %get3A_182 = vector.load %arg10[%get3A_180, %get3A_181] : memref<208x32xf32, #tpu.memory_space<vmem>>, vector<208x32xf32>
    %dot_general3A_183 = arith.constant dense<0.000000e+00> : vector<512x32xf32>
    %dot_general3A_184 = tpu.matmul %mul3A_152, %get3A_182, %dot_general3A_183 {dimension_numbers = #tpu.dot_dimension_numbers<[1], [0], [0], [1], [0, 0, 1, 1], [], []>, transpose_lhs_hint = false} : vector<512x208xf32>, vector<208x32xf32>, vector<512x32xf32> -> vector<512x32xf32>
    %get3A_185 = arith.constant 0 : index
    %get3A_186 = arith.constant 0 : index
    %get3A_187 = vector.load %arg11[%get3A_185, %get3A_186] : memref<432x32xf32, #tpu.memory_space<vmem>>, vector<432x32xf32>
    %dot_general3A_188 = arith.constant dense<0.000000e+00> : vector<512x32xf32>
    %dot_general3A_189 = tpu.matmul %mul3A_154, %get3A_187, %dot_general3A_188 {dimension_numbers = #tpu.dot_dimension_numbers<[1], [0], [0], [1], [0, 0, 1, 1], [], []>, transpose_lhs_hint = false} : vector<512x432xf32>, vector<432x32xf32>, vector<512x32xf32> -> vector<512x32xf32>
    %add3A_190 = arith.addf %dot_general3A_184, %dot_general3A_189 : vector<512x32xf32>
    %get3A_191 = arith.constant 0 : index
    %get3A_192 = arith.constant 0 : index
    %get3A_193 = vector.load %arg12[%get3A_191, %get3A_192] : memref<1x32xf32, #tpu.memory_space<vmem>>, vector<1x32xf32>
    %add3A_194 = vector.broadcast %get3A_193 : vector<1x32xf32> to vector<512x32xf32>
    %add3A_195 = arith.addf %add3A_190, %add3A_194 : vector<512x32xf32>
    %mul3A_196 = arith.constant 512 : i32
    %mul3A_197 = arith.muli %arg0, %mul3A_196 : i32
    %swap3A = arith.index_cast %mul3A_197 : i32 to index
    %swap3A_198 = arith.constant 0 : index
    %swap3A_199 = vector.load %arg21[%swap3A, %swap3A_198] : memref<4096x32xf32, #tpu.memory_space<vmem>>, vector<512x32xf32>
    tpu.vector_store %arg21[%swap3A, %swap3A_198], %add3A_195 {strides = array<i32>} : memref<4096x32xf32, #tpu.memory_space<vmem>>, vector<512x32xf32>,
    %add3A_200 = arith.addf %add3A_159, %mul3A_179 : vector<512x1xf32>
    %get3A_201 = arith.constant 0 : index
    %get3A_202 = arith.constant 0 : index
    %get3A_203 = vector.load %arg19[%get3A_201, %get3A_202] : memref<512x1xf32, #tpu.memory_space<vmem>>, vector<512x1xf32>
    %add3A_204 = arith.addf %add3A_200, %get3A_203 : vector<512x1xf32>
    %mul3A_205 = arith.constant 512 : i32
    %mul3A_206 = arith.muli %arg0, %mul3A_205 : i32
    %swap3A_207 = arith.index_cast %mul3A_206 : i32 to index
    %swap3A_208 = arith.constant 0 : index
    %swap3A_209 = vector.load %arg20[%swap3A_207, %swap3A_208] : memref<4096x1xf32, #tpu.memory_space<vmem>>, vector<512x1xf32>
    tpu.vector_store %arg20[%swap3A_207, %swap3A_208], %add3A_204 {strides = array<i32>} : memref<4096x1xf32, #tpu.memory_space<vmem>>, vector<512x1xf32>,
    %eq3A_210 = arith.constant 7 : i32
    %eq3A_211 = arith.cmpi eq, %arg0, %eq3A_210 : i32
    %convert_element_type3A_212 = arith.extui %eq3A_211 : i1 to i32
    %cond3A = arith.constant 0 : i32
    %cond3A_213 = arith.cmpi ne, %convert_element_type3A_212, %cond3A : i32
    scf.if %cond3A_213 {
      %get3A_214 = arith.constant 0 : index
      %get3A_215 = arith.constant 0 : index
      %get3A_216 = vector.load %arg21[%get3A_214, %get3A_215] : memref<4096x32xf32, #tpu.memory_space<vmem>>, vector<4096x32xf32>
      %reduce_sum3A_217 = arith.constant dense<0.000000e+00> : vector<32xf32>
      %reduce_sum3A_218 = vector.multi_reduction <add>, %get3A_216, %reduce_sum3A_217 [0] : vector<4096x32xf32> to vector<32xf32>
      %broadcast_in_dim3A_219 = vector.shape_cast %reduce_sum3A_218 : vector<32xf32> to vector<1x32xf32>
      %div3A_220 = arith.constant 4.096000e+03 : f32
      %div3A_221 = vector.broadcast %div3A_220 : f32 to vector<1x32xf32>
      %div3A_222 = arith.divf %broadcast_in_dim3A_219, %div3A_221 : vector<1x32xf32>
      %sub3A_223 = vector.broadcast %div3A_222 : vector<1x32xf32> to vector<4096x32xf32>
      %sub3A_224 = arith.subf %get3A_216, %sub3A_223 : vector<4096x32xf32>
      %sub3A_225 = vector.broadcast %div3A_222 : vector<1x32xf32> to vector<4096x32xf32>
      %sub3A_226 = arith.subf %get3A_216, %sub3A_225 : vector<4096x32xf32>
      %mul3A_227 = arith.mulf %sub3A_224, %sub3A_226 : vector<4096x32xf32>
      %reduce_sum3A_228 = arith.constant dense<0.000000e+00> : vector<32xf32>
      %reduce_sum3A_229 = vector.multi_reduction <add>, %mul3A_227, %reduce_sum3A_228 [0] : vector<4096x32xf32> to vector<32xf32>
      %broadcast_in_dim3A_230 = vector.shape_cast %reduce_sum3A_229 : vector<32xf32> to vector<1x32xf32>
      %div3A_231 = arith.constant 4.096000e+03 : f32
      %div3A_232 = vector.broadcast %div3A_231 : f32 to vector<1x32xf32>
      %div3A_233 = arith.divf %broadcast_in_dim3A_230, %div3A_232 : vector<1x32xf32>
      %get3A_234 = arith.constant 0 : index
      %get3A_235 = arith.constant 0 : index
      %get3A_236 = vector.load %arg13[%get3A_234, %get3A_235] : memref<1x32xf32, #tpu.memory_space<vmem>>, vector<1x32xf32>
      %sub3A_237 = vector.broadcast %div3A_222 : vector<1x32xf32> to vector<4096x32xf32>
      %sub3A_238 = arith.subf %get3A_216, %sub3A_237 : vector<4096x32xf32>
      %mul3A_239 = vector.broadcast %get3A_236 : vector<1x32xf32> to vector<4096x32xf32>
      %mul3A_240 = arith.mulf %mul3A_239, %sub3A_238 : vector<4096x32xf32>
      %add3A_241 = arith.constant 9.99999974E-6 : f32
      %add3A_242 = vector.broadcast %add3A_241 : f32 to vector<1x32xf32>
      %add3A_243 = arith.addf %div3A_233, %add3A_242 : vector<1x32xf32>
      %sqrt3A = math.sqrt %add3A_243 : vector<1x32xf32>
      %div3A_244 = vector.broadcast %sqrt3A : vector<1x32xf32> to vector<4096x32xf32>
      %div3A_245 = arith.divf %mul3A_240, %div3A_244 : vector<4096x32xf32>
      %get3A_246 = arith.constant 0 : index
      %get3A_247 = arith.constant 0 : index
      %get3A_248 = vector.load %arg14[%get3A_246, %get3A_247] : memref<1x32xf32, #tpu.memory_space<vmem>>, vector<1x32xf32>
      %add3A_249 = vector.broadcast %get3A_248 : vector<1x32xf32> to vector<4096x32xf32>
      %add3A_250 = arith.addf %div3A_245, %add3A_249 : vector<4096x32xf32>
      %get3A_251 = arith.constant 0 : index
      %get3A_252 = arith.constant 0 : index
      %get3A_253 = vector.load %arg15[%get3A_251, %get3A_252] : memref<32x32xf32, #tpu.memory_space<vmem>>, vector<32x32xf32>
      %dot_general3A_254 = arith.constant dense<0.000000e+00> : vector<4096x32xf32>
      %dot_general3A_255 = tpu.matmul %add3A_250, %get3A_253, %dot_general3A_254 {dimension_numbers = #tpu.dot_dimension_numbers<[1], [0], [0], [1], [0, 0, 1, 1], [], []>, transpose_lhs_hint = false} : vector<4096x32xf32>, vector<32x32xf32>, vector<4096x32xf32> -> vector<4096x32xf32>
      %get3A_256 = arith.constant 0 : index
      %get3A_257 = arith.constant 0 : index
      %get3A_258 = vector.load %arg16[%get3A_256, %get3A_257] : memref<1x32xf32, #tpu.memory_space<vmem>>, vector<1x32xf32>
      %add3A_259 = vector.broadcast %get3A_258 : vector<1x32xf32> to vector<4096x32xf32>
      %add3A_260 = arith.addf %dot_general3A_255, %add3A_259 : vector<4096x32xf32>
      %reduce_sum3A_261 = arith.constant dense<0.000000e+00> : vector<32xf32>
      %reduce_sum3A_262 = vector.multi_reduction <add>, %add3A_260, %reduce_sum3A_261 [0] : vector<4096x32xf32> to vector<32xf32>
      %broadcast_in_dim3A_263 = vector.shape_cast %reduce_sum3A_262 : vector<32xf32> to vector<1x32xf32>
      %div3A_264 = arith.constant 4.096000e+03 : f32
      %div3A_265 = vector.broadcast %div3A_264 : f32 to vector<1x32xf32>
      %div3A_266 = arith.divf %broadcast_in_dim3A_263, %div3A_265 : vector<1x32xf32>
      %sub3A_267 = vector.broadcast %div3A_266 : vector<1x32xf32> to vector<4096x32xf32>
      %sub3A_268 = arith.subf %add3A_260, %sub3A_267 : vector<4096x32xf32>
      %sub3A_269 = vector.broadcast %div3A_266 : vector<1x32xf32> to vector<4096x32xf32>
      %sub3A_270 = arith.subf %add3A_260, %sub3A_269 : vector<4096x32xf32>
      %mul3A_271 = arith.mulf %sub3A_268, %sub3A_270 : vector<4096x32xf32>
      %reduce_sum3A_272 = arith.constant dense<0.000000e+00> : vector<32xf32>
      %reduce_sum3A_273 = vector.multi_reduction <add>, %mul3A_271, %reduce_sum3A_272 [0] : vector<4096x32xf32> to vector<32xf32>
      %broadcast_in_dim3A_274 = vector.shape_cast %reduce_sum3A_273 : vector<32xf32> to vector<1x32xf32>
      %div3A_275 = arith.constant 4.096000e+03 : f32
      %div3A_276 = vector.broadcast %div3A_275 : f32 to vector<1x32xf32>
      %div3A_277 = arith.divf %broadcast_in_dim3A_274, %div3A_276 : vector<1x32xf32>
      %get3A_278 = arith.constant 0 : index
      %get3A_279 = arith.constant 0 : index
      %get3A_280 = vector.load %arg17[%get3A_278, %get3A_279] : memref<1x32xf32, #tpu.memory_space<vmem>>, vector<1x32xf32>
      %sub3A_281 = vector.broadcast %div3A_266 : vector<1x32xf32> to vector<4096x32xf32>
      %sub3A_282 = arith.subf %add3A_260, %sub3A_281 : vector<4096x32xf32>
      %mul3A_283 = vector.broadcast %get3A_280 : vector<1x32xf32> to vector<4096x32xf32>
      %mul3A_284 = arith.mulf %mul3A_283, %sub3A_282 : vector<4096x32xf32>
      %add3A_285 = arith.constant 9.99999974E-6 : f32
      %add3A_286 = vector.broadcast %add3A_285 : f32 to vector<1x32xf32>
      %add3A_287 = arith.addf %div3A_277, %add3A_286 : vector<1x32xf32>
      %sqrt3A_288 = math.sqrt %add3A_287 : vector<1x32xf32>
      %div3A_289 = vector.broadcast %sqrt3A_288 : vector<1x32xf32> to vector<4096x32xf32>
      %div3A_290 = arith.divf %mul3A_284, %div3A_289 : vector<4096x32xf32>
      %get3A_291 = arith.constant 0 : index
      %get3A_292 = arith.constant 0 : index
      %get3A_293 = vector.load %arg18[%get3A_291, %get3A_292] : memref<1x32xf32, #tpu.memory_space<vmem>>, vector<1x32xf32>
      %add3A_294 = vector.broadcast %get3A_293 : vector<1x32xf32> to vector<4096x32xf32>
      %add3A_295 = arith.addf %div3A_290, %add3A_294 : vector<4096x32xf32>
      %get3A_296 = arith.constant 0 : index
      %get3A_297 = arith.constant 0 : index
      %get3A_298 = vector.load %arg20[%get3A_296, %get3A_297] : memref<4096x1xf32, #tpu.memory_space<vmem>>, vector<4096x1xf32>
      %reduce_sum3A_299 = arith.constant dense<0.000000e+00> : vector<4096xf32>
      %reduce_sum3A_300 = vector.multi_reduction <add>, %add3A_295, %reduce_sum3A_299 [1] : vector<4096x32xf32> to vector<4096xf32>
      %broadcast_in_dim3A_301 = vector.shape_cast %reduce_sum3A_300 : vector<4096xf32> to vector<4096x1xf32>
      %add3A_302 = arith.addf %get3A_298, %broadcast_in_dim3A_301 : vector<4096x1xf32>
      %swap3A_303 = arith.constant 0 : index
      %swap3A_304 = arith.constant 0 : index
      %swap3A_305 = vector.load %arg20[%swap3A_303, %swap3A_304] : memref<4096x1xf32, #tpu.memory_space<vmem>>, vector<4096x1xf32>
      tpu.vector_store %arg20[%swap3A_303, %swap3A_304], %add3A_302 {strides = array<i32>} : memref<4096x1xf32, #tpu.memory_space<vmem>>, vector<4096x1xf32>,
    } else {
    }
    return
  }
  func.func @transform_0(%arg0: i32) -> (i32, i32) {
    %c0_i32 = arith.constant 0 : i32
    %c0_i32_0 = arith.constant 0 : i32
    return %arg0, %c0_i32 : i32, i32
  }
  func.func @transform_1(%arg0: i32) -> (i32, i32) {
    %c0_i32 = arith.constant 0 : i32
    %c0_i32_0 = arith.constant 0 : i32
    return %arg0, %c0_i32 : i32, i32
  }
  func.func @transform_2(%arg0: i32) -> (i32, i32) {
    %c0_i32 = arith.constant 0 : i32
    %c0_i32_0 = arith.constant 0 : i32
    return %arg0, %c0_i32 : i32, i32
  }
  func.func @transform_3(%arg0: i32) -> (i32, i32) {
    %c0_i32 = arith.constant 0 : i32
    %c0_i32_0 = arith.constant 0 : i32
    return %arg0, %c0_i32 : i32, i32
  }
  func.func @transform_4(%arg0: i32) -> (i32, i32) {
    %c0_i32 = arith.constant 0 : i32
    %c0_i32_0 = arith.constant 0 : i32
    return %arg0, %c0_i32 : i32, i32
  }
  func.func @transform_5(%arg0: i32) -> (i32, i32) {
    %c0_i32 = arith.constant 0 : i32
    %c0_i32_0 = arith.constant 0 : i32
    %c0_i32_1 = arith.constant 0 : i32
    return %c0_i32, %c0_i32_0 : i32, i32
  }
  func.func @transform_6(%arg0: i32) -> (i32, i32) {
    %c0_i32 = arith.constant 0 : i32
    %c0_i32_0 = arith.constant 0 : i32
    %c0_i32_1 = arith.constant 0 : i32
    return %c0_i32, %c0_i32_0 : i32, i32
  }
  func.func @transform_7(%arg0: i32) -> (i32, i32) {
    %c0_i32 = arith.constant 0 : i32
    %c0_i32_0 = arith.constant 0 : i32
    %c0_i32_1 = arith.constant 0 : i32
    return %c0_i32, %c0_i32_0 : i32, i32
  }
  func.func @transform_8(%arg0: i32) -> (i32, i32) {
    %c0_i32 = arith.constant 0 : i32
    %c0_i32_0 = arith.constant 0 : i32
    %c0_i32_1 = arith.constant 0 : i32
    return %c0_i32, %c0_i32_0 : i32, i32
  }
  func.func @transform_9(%arg0: i32) -> (i32, i32) {
    %c0_i32 = arith.constant 0 : i32
    %c0_i32_0 = arith.constant 0 : i32
    %c0_i32_1 = arith.constant 0 : i32
    return %c0_i32, %c0_i32_0 : i32, i32
  }
  func.func @transform_10(%arg0: i32) -> (i32, i32) {
    %c0_i32 = arith.constant 0 : i32
    %c0_i32_0 = arith.constant 0 : i32
    %c0_i32_1 = arith.constant 0 : i32
    return %c0_i32, %c0_i32_0 : i32, i32
  }
  func.func @transform_11(%arg0: i32) -> (i32, i32) {
    %c0_i32 = arith.constant 0 : i32
    %c0_i32_0 = arith.constant 0 : i32
    %c0_i32_1 = arith.constant 0 : i32
    return %c0_i32, %c0_i32_0 : i32, i32
  }
  func.func @transform_12(%arg0: i32) -> (i32, i32) {
    %c0_i32 = arith.constant 0 : i32
    %c0_i32_0 = arith.constant 0 : i32
    %c0_i32_1 = arith.constant 0 : i32
    return %c0_i32, %c0_i32_0 : i32, i32
  }
  func.func @transform_13(%arg0: i32) -> (i32, i32) {
    %c0_i32 = arith.constant 0 : i32
    %c0_i32_0 = arith.constant 0 : i32
    %c0_i32_1 = arith.constant 0 : i32
    return %c0_i32, %c0_i32_0 : i32, i32
  }
  func.func @transform_14(%arg0: i32) -> (i32, i32) {
    %c0_i32 = arith.constant 0 : i32
    %c0_i32_0 = arith.constant 0 : i32
    %c0_i32_1 = arith.constant 0 : i32
    return %c0_i32, %c0_i32_0 : i32, i32
  }
  func.func @transform_15(%arg0: i32) -> (i32, i32) {
    %c0_i32 = arith.constant 0 : i32
    %c0_i32_0 = arith.constant 0 : i32
    %c0_i32_1 = arith.constant 0 : i32
    return %c0_i32, %c0_i32_0 : i32, i32
  }
  func.func @transform_16(%arg0: i32) -> (i32, i32) {
    %c0_i32 = arith.constant 0 : i32
    %c0_i32_0 = arith.constant 0 : i32
    %c0_i32_1 = arith.constant 0 : i32
    return %c0_i32, %c0_i32_0 : i32, i32
  }
  func.func @transform_17(%arg0: i32) -> (i32, i32) {
    %c0_i32 = arith.constant 0 : i32
    %c0_i32_0 = arith.constant 0 : i32
    %c0_i32_1 = arith.constant 0 : i32
    return %c0_i32, %c0_i32_0 : i32, i32
  }
  func.func @transform_18(%arg0: i32) -> (i32, i32) {
    %c0_i32 = arith.constant 0 : i32
    %c0_i32_0 = arith.constant 0 : i32
    return %arg0, %c0_i32 : i32, i32
  }
  func.func @transform_19(%arg0: i32) -> (i32, i32) {
    %c0_i32 = arith.constant 0 : i32
    %c0_i32_0 = arith.constant 0 : i32
    %c0_i32_1 = arith.constant 0 : i32
    return %c0_i32, %c0_i32_0 : i32, i32
  }
}

</mosaic_0001>

<sc_bundles>
// kernel: kernel.4.cloned.1.call-start
scs
__scs_entry_jumppad:
0x0: {  	(pc) =	sbr.rel $0x88, $3  }
0x1: {  	(tag) =	ssettag $0x0;
	lr =	simm.s32 $0x1  }
0x2: {  	[smem:$0x3F90] =	sst lr;
	_ =	strace $0xD0000000  }
0x3: {  	_ = 	snop  }
0x4: {  	_ = 	snop  }
0x5: {  	_ = 	snop  }
0x6: {  	_ = 	snop  }
0x7: {  	_ = 	snop  }
__scs_overlays_trampoline_lowered:
0x8: {  	[smem:$0x3F9F] =	sst s0  }
0x9: {  	[smem:$0x3FA0] =	sst s1  }
0xa: {  	[smem:$0x3FA1] =	sst s2  }
0xb: {  	[smem:$0x3FA2] =	sst s3  }
0xc: {  	[smem:$0x3FA3] =	sst s4  }
0xd: {  	[smem:$0x3FA4] =	sst s5  }
0xe: {  	[smem:$0x3FA5] =	sst s6  }
0xf: {  	[smem:$0x3FA6] =	sst s7  }
0x10: {  	[smem:$0x3FA7] =	sst s8  }
0x11: {  	[smem:$0x3FA8] =	sst s9;
	s0 =	simm.s32 @!p0 $0x0  }
0x12: {  	s1 =	sld [smem:$0x3F8E];
	s0 =	simm.s32 @p0 $0x1  }
0x13: {  	[smem:$0x3FA9] =	sst s0;
	s0 =	simm.s32 @!p1 $0x0  }
0x14: {  	s2 =	sld [smem:$0x3F8D];
	s0 =	simm.s32 @p1 $0x1  }
0x15: {  	[smem:$0x3FAA] =	sst s0;
	s0 =	simm.s32 @!p2 $0x0  }
0x16: {  	s3 =	sld [smem:$0x3FDB];
	s0 =	simm.s32 @p2 $0x1  }
0x17: {  	s4 =	simm.s32 $0x1BF5;
	[smem:$0x3FAC] =	sst s0  }
0x18: {  	s0 =	sld [smem:$0x3F8F];
	_ =	swait.ge [sflag:s4], $0x0  }
0x19: {  	s7 =	sld [smem:$0x3F90]  }
0x1a: {  	s8 =	sadd.s32 $0xFFFFE003, lr  }
0x1b: {  	s9 =	sadd.s32 $0xFFFFFEF7, lr;
	s5 =	simm.s32 $0xFFFFFFFF;
	p2 =	slt.u32 s8, $0xFFFFF086  }
0x1c: {  	p1 =	slt.u32 s9, $0xF7A;
	s5 =	simm.s32 @!p2 $0x0  }
0x1d: {  	s5 =	simm.s32 @p1 $0x1;
	p0 =	seq.s32 s7, s2  }
0x1e: {  	s7 =	smul.u32 @!p0 $0xF7A, s2;
	p2 =	seq.s32 @!p0 s5, $0x0  }
0x1f: {  	s9 =	smul.u32 $0xF7A, s1;
	s8 =	simm.s32 @!p0 $0x1BF5;
	p2 =	por !p2, p0  }
0x20: {  	[sflag:s8] =	ssyncset.s32 @!p0 $0xFFFFF086;
	s6 =	sadd.s32 @!p0 s3, s7;
	s7 =	simm.s32 @!p0 $0x108  }
0x21: {  	s3 =	sadd.s32 s3, s9;
	s6 =	sadd.s32 @!p0 $0x88, s6;
	s7 =	simm.s32 @p2 $0x1082  }
0x22: {  	[simem:s7], [sflag:s8] =	dma.local @!p0 [hbm:s6], $0xF7A  }
0x23: {  	s9 =	sor.u32 $0xD0000000, s2;
	s6 =	simm.s32 $0x108;
	_ =	swait.ge @!p0 [sflag:s8], $0x0  }
0x24: {  	s3 =	sadd.s32 $0x88, s3;
	s6 =	simm.s32 @!p1 $0x1082;
	[sflag:s4] =	ssyncset.s32 $0xFFFFF086  }
0x25: {  	[simem:s6], [sflag:s4] =	dma.local [hbm:s3], $0xF7A  }
0x26: {  	[smem:$0x3F90] =	sst s1;
	(tag) =	ssettag s2;
	_ =	strace s9  }
0x27: {  	s1 =	sld [smem:$0x3FA0]  }
0x28: {  	s2 =	sld [smem:$0x3FA1]  }
0x29: {  	s4 =	sld [smem:$0x3FA3]  }
0x2a: {  	p0 =	seq.s32 s5, $0x0;
	s5 =	sld [smem:$0x3FA4]  }
0x2b: {  	s6 =	sld [smem:$0x3FA5]  }
0x2c: {  	s7 =	sld [smem:$0x3FA6]  }
0x2d: {  	s3 =	simm.s32 $0x108;
	s8 =	sld [smem:$0x3FA7]  }
0x2e: {  	s3 =	simm.s32 @!p0 $0x1082;
	s9 =	sld [smem:$0x3FA8]  }
0x2f: {  	lr =	sadd.s32 s0, s3;
	s0 =	sld [smem:$0x3F9F]  }
0x30: {  	s3 =	sld [smem:$0x3FA2]  }
0x31: {  	[smem:$0x3FAB] =	sst s10  }
0x32: {  	s10 =	sld [smem:$0x3FA9];
	_ =	sdelay $0x3  }
0x33: {  	p0 =	seq.s32 s10, $0x1;
	s10 =	sld [smem:$0x3FAB];
	_ =	sdelay $0x3  }
0x34: {  	[smem:$0x3FAB] =	sst s10  }
0x35: {  	s10 =	sld [smem:$0x3FAA];
	_ =	sdelay $0x3  }
0x36: {  	p1 =	seq.s32 s10, $0x1;
	s10 =	sld [smem:$0x3FAB];
	_ =	sdelay $0x3  }
0x37: {  	[smem:$0x3FAB] =	sst s10  }
0x38: {  	s10 =	sld [smem:$0x3FAC]  }
0x39: {  	_ = 	snop;
	(pc) =	sbr.ind lr, $3  }
0x3a: {  	_ = 	snop  }
0x3b: {  	_ = 	snop  }
0x3c: {  	p2 =	seq.s32 s10, $0x1;
	s10 =	sld [smem:$0x3FAB]  }
0x3d: {  	_ =	shalt  }
0x3e: {  	_ =	shalt  }
0x3f: {  	_ =	shalt  }
0x40: {  	_ =	shalt  }
0x41: {  	_ =	shalt  }
0x42: {  	_ =	shalt  }
0x43: {  	_ =	shalt  }
0x44: {  	_ =	shalt  }
0x45: {  	_ =	shalt  }
0x46: {  	_ =	shalt  }
0x47: {  	_ =	shalt  }
0x48: {  	_ =	shalt  }
0x49: {  	_ =	shalt  }
0x4a: {  	_ =	shalt  }
0x4b: {  	_ =	shalt  }
0x4c: {  	_ =	shalt  }
0x4d: {  	_ =	shalt  }
0x4e: {  	_ =	shalt  }
0x4f: {  	_ =	shalt  }
0x50: {  	_ =	shalt  }
0x51: {  	_ =	shalt  }
0x52: {  	_ =	shalt  }
0x53: {  	_ =	shalt  }
0x54: {  	_ =	shalt  }
0x55: {  	_ =	shalt  }
0x56: {  	_ =	shalt  }
0x57: {  	_ =	shalt  }
0x58: {  	_ =	shalt  }
0x59: {  	_ =	shalt  }
0x5a: {  	_ =	shalt  }
0x5b: {  	_ =	shalt  }
0x5c: {  	_ =	shalt  }
0x5d: {  	_ =	shalt  }
0x5e: {  	_ =	shalt  }
0x5f: {  	_ =	shalt  }
0x60: {  	_ =	shalt  }
0x61: {  	_ =	shalt  }
0x62: {  	_ =	shalt  }
0x63: {  	_ =	shalt  }
0x64: {  	_ =	shalt  }
0x65: {  	_ =	shalt  }
0x66: {  	_ =	shalt  }
0x67: {  	_ =	shalt  }
0x68: {  	_ =	shalt  }
0x69: {  	_ =	shalt  }
0x6a: {  	_ =	shalt  }
0x6b: {  	_ =	shalt  }
0x6c: {  	_ =	shalt  }
0x6d: {  	_ =	shalt  }
0x6e: {  	_ =	shalt  }
0x6f: {  	_ =	shalt  }
0x70: {  	_ =	shalt  }
0x71: {  	_ =	shalt  }
0x72: {  	_ =	shalt  }
0x73: {  	_ =	shalt  }
0x74: {  	_ =	shalt  }
0x75: {  	_ =	shalt  }
0x76: {  	_ =	shalt  }
0x77: {  	_ =	shalt  }
0x78: {  	_ =	shalt  }
0x79: {  	_ =	shalt  }
0x7a: {  	_ =	shalt  }
0x7b: {  	_ =	shalt  }
0x7c: {  	_ =	shalt  }
0x7d: {  	_ =	shalt  }
0x7e: {  	_ =	shalt  }
0x7f: {  	_ =	shalt  }
0x80: {  	_ =	shalt  }
0x81: {  	_ =	shalt  }
0x82: {  	_ =	shalt  }
0x83: {  	_ =	shalt  }
0x84: {  	_ =	shalt  }
0x85: {  	_ =	shalt  }
0x86: {  	_ =	shalt  }
0x87: {  	_ =	shalt  }
.Lfunc_end0:
.L_simem_size_0:
called_computation_lowered:
.L_overlay_start_0:
0x88: {  	s2 =	sld [smem:$0x3FD9]  }
0x89: {  	s3 =	sld [smem:$0x3FFE];
	_ =	sdelay $0x1  }
0x8a: {  	s1 =	srdreg.scid  }
0x8b: {  	s0 =	sand.u32 $0x1, s1  }
0x8c: {  	s17 =	sshll.u32 s0, $0xA;
	s2 =	sadd.s32 s3, s2  }
0x8d: {  	s2 =	sadd.s32 s2, s17  }
0x8e: {  	[smem:$0x3FB7] =	sst s2  }
0x8f: {  	_ = 	snop  }
0x90: {  	s2 =	sld [smem:$0x3FD0];
	(tm) =	ssettm $0x1  }
0x91: {  	s18 =	sld [smem:$0x3FFB];
	_ =	sdelay $0x3  }
0x92: {  	_ =	strace s18  }
0x93: {  	s3 =	sld [smem:$0x3FFC];
	_ =	sdelay $0x3  }
0x94: {  	_ =	strace s3  }
0x95: {  	s3 =	sld [smem:$0x3FFD];
	_ =	sdelay $0x3  }
0x96: {  	_ =	strace s3  }
0x97: {  	_ =	strace $0x8FFFFFFF  }
0x98: {  	s19 =	sld [smem:$0x3FDB];
	_ =	sdelay $0x1  }
0x99: {  	s4 =	simm.s32 $_scs_section_size  }
0x9a: {  	s5 =	simm.s32 $_size__tile_overlayer_lowered;
	s6 =	simm.s32 $_tile_overlayer_lowered  }
0x9b: {  	s22 =	simm.s32 $0x1BFF;
	s21 =	sshll.u32 s6, $0x1;
	s3 =	sadd.s32 s4, s19  }
0x9c: {  	s7 =	simm.s32 $0x0;
	s20 =	sshll.u32 s5, $0x1;
	s5 =	sadd.s32 s21, s3  }
0x9d: {  	[timem:s7], [sflag:s22] =	dma.local [hbm:s5], s20  }
0x9e: {  	_ =	swait.ge [sflag:s22], s20  }
0x9f: {  	s4 =	ssub.s32 $0x0, s20;
	[sflag:s22] =	ssyncset.done $0x0  }
0xa0: {  	[sflag:s22] =	ssyncadd.s32 s4;
	_ =	sdelay $0x1  }
0xa1: {  	s23 =	simm.s32 $0x1B8B  }
0xa2: {  	_ =	swait.ge [sflag:s23], $0x1  }
0xa3: {  	[sflag:s23] =	ssyncset.done $0x0  }
0xa4: {  	s25 =	simm.s32 $0x1B8E;
	s24 =	sld [smem:$0x3FFE];
	[sflag:s23] =	ssyncadd.s32 $0xFFFFFFFF  }
0xa5: {  	s26 =	simm.s32 $execute0_lowered;
	[smem:$0x3FD2] =	sst s25  }
0xa6: {  	s5 =	sshll.u32 s26, $0x1;
	_ =	strace $0x80000046;
	[dreg:$0x1] =	wrdreg $0xFFFFFFFF  }
0xa7: {  	s28 =	simm.s32 $_size_execute0_lowered;
	s3 =	sadd.s32 s3, s5;
	[dreg:$0x0] =	wrdreg $0x0  }
0xa8: {  	s5 =	sshll.u32 s28, $0x1;
	[dreg:$0x2] =	wrdreg s3  }
0xa9: {  	[dreg:$0x3] =	wrdreg s5  }
0xaa: {  	[dreg:$0x4] =	wrdreg $0xC0  }
0xab: {  	_ =	task [dreg:s7], $0x5FFFF  }
0xac: {  	[dreg:$0x1] =	wrdreg $0xFFFFFFFF  }
0xad: {  	[dreg:$0x0] =	wrdreg $0x60  }
0xae: {  	[dreg:$0x2] =	wrdreg s24  }
0xaf: {  	[dreg:$0x3] =	wrdreg s2  }
0xb0: {  	[dreg:$0x4] =	wrdreg $0x9  }
0xb1: {  	_ =	task.clear_ibuf [dreg:s7], $0x5FFFF;
	_ =	strace $0x90000046  }
0xb2: {  	s29 =	simm.s32 $0x9;
	_ =	strace $0x80000048  }
0xb3: {  	_ =	swait.ge [sflag:s29], $0x1  }
0xb4: {  	[sflag:s29] =	ssyncadd.s32 $0xFFFFFFFF  }
0xb5: {  	_ =	strace $0x90000048  }
0xb6: {  	_ =	sfence  }
0xb7: {  	s30 =	sld [smem:$0x0];
	_ =	sdelay $0x2  }
0xb8: {  	s31 =	sshll.u32 s1, $0xD;
	s1 =	sshrl.u32 s1, $0x2  }
0xb9: {  	s3 =	sand.u32 $0x4000, s31;
	s1 =	sadd.s32 s1, s30  }
0xba: {  	s0 =	sor.u32 s3, s0;
	s1 =	sshll.u32 s1, $0x11  }
0xbb: {  	s0 =	sor.u32 s1, s0  }
0xbc: {  	s0 =	sadd.s32 $0x8F2B, s0  }
0xbd: {  	[sflag:s0] =	ssyncadd.remote.s32 $0x1  }
0xbe: {  	_ =	sfence.sel $0xFFFF  }
0xbf: {  	[dreg:$0x0] =	wrdreg $0xFFFFFFFF;
	(pc) =	sbr.abs _section_cstart, $3  }
0xc0: {  	[dreg:$0x1] =	wrdreg $0xFFFFFFFF  }
0xc1: {  	_ =	task.clear_ibuf [dreg:s7], $0x2FFFF;
	_ =	strace $0x9FFFFFFF  }
0xc2: {  	(tm) =	ssettm $0x7FFFFFFF  }
0xc3: {  	_ =	shalt  }
tec
execute0_lowered:
.L_overlay_start_1:
0x0: {  	(tag) =	ssettag $0x1  }
0x1: {  	s6 =	rddreg [dreg:$0x0];
	s1 =	srdreg.scid  }
0x2: {  	s0 =	stileid.u32;
	s2 =	rddreg [dreg:$0x1];
	s3 =	simm.s32 $0x0  }
0x3: {  	s11 =	simm.s32 $0xD80;
	s12 =	simm.s32 $0x80;
	s13 =	simm.s32 $0x1  }
0x4: {  	s14 =	simm.s32 $0x2;
	s15 =	simm.s32 $0x1B00;
	s16 =	simm.s32 $0xF300  }
0x5: {  	s4 =	sand.u32 $0x1, s1;
	s5 =	sshll.u32 s0, $0x1;
	s1 =	rddreg [dreg:$0x2]  }
0x6: {  	s17 =	simm.s32 $0x0;
	[smem:$0x7FF] =	sst s3;
	s5 =	sor.u32 s4, s5  }
0x7: {  	_ =	strace $0x80000047;
	s9 =	ssub.s32 $0x2, s4;
	s7 =	smul.u32 $0x1B0, s5  }
0x8: {  	s4 =	sadd.s32 $0x2E5C600, s6;
	s8 =	smul.u32 $0x1B00, s5;
	s10 =	sshrl.u32 s9, $0x1  }
0x9: {  	s5 =	sadd.s32 $0x2936000, s6;
	s9 =	ssub.s32 s9, s10;
	s10 =	simm.s32 $0x3  }
0xa: {  	s7 =	sadd.s32 s7, s6;
	s8 =	sadd.s32 s8, s6;
	s9 =	smax.u32 s9, $0x1  }
0xb: {  	s6 =	sadd.s32 $0x3200, s7;
	s7 =	sadd.s32 $0x6800, s8;
	s8 =	sadd.s32 $0x3C800, s8  }
.LBB2_1:
0xc: {  	[tilespmem:s3], [sflag:$0x3] =	stream.linear.gather [hbm4b:s6+s3], $0xD80, $0x38;
	[tilespmem:$0x1CB00] =	vst v63  }
0xd: {  	_ =	swait.ge [sflag:s10], $0xD80  }
0xe: {  	[sflag:s10] =	ssyncset.done $0x0  }
0xf: {  	[sflag:s10] =	ssyncadd.s32 $0xFFFFF280  }
0x10: {  	[tilespmem:s11], [sflag:$0x3] =	stream.linear.gather [hbm4b:s2+s3], $0xD80, $0x38;
	[tilespmem:$0x1CB00] =	vst v63  }
0x11: {  	_ =	swait.ge [sflag:s10], $0xD80  }
0x12: {  	[sflag:s10] =	ssyncset.done $0x0  }
0x13: {  	s18 =	simm.s32 $0x0;
	[sflag:s10] =	ssyncadd.s32 $0xFFFFF280  }
0x14: {  	s19 =	simm.s32 $0x40;
	v0 =	vld [tilespmem:s18+$0xD80]  }
.LBB2_2:
0x15: {  	p0 =	sne.s32 s19, $0x35C0;
	v1 =	vld [tilespmem:s18+$0x0];
	_ =	sdelay $0x1  }
.Ltmp0:
0x16: {  	(pc) =	sbr.rel @p0 .LBB2_2-.Ltmp0, $3  }
0x17: {  	_ =	sdelay $0x1  }
0x18: {  	s20 =	sshra.s32 s19, $0x2;
	v1 =	vadd.s32 v1, v0  }
0x19: {  	s19 =	sadd.s32 $0x40, s19;
	v0 =	vld [tilespmem:s20+$0xD80];
	[tilespmem:s18+$0x0] =	vst v1;
	s18 =	smov.u32 s20  }
0x1a: {  	v1 =	vld [tilespmem:s18+$0x0];
	_ =	sdelay $0x4  }
0x1b: {  	v0 =	vadd.s32 v1, v0  }
0x1c: {  	s19 =	simm.s32 $0x1B00;
	[tilespmem:s18+$0x0] =	vst v0;
	s18 =	simm.s32 $0x0  }
0x1d: {  	[tilespmem:s19], [sflag:$0x1] =	stream.indirect.gather [hbm4b:s4+s12], $0x10, s18, s12, $0xb8;
	[tilespmem:$0x1CB00] =	vst v63  }
0x1e: {  	s31 =	simm.s32 $0xF300;
	s19 =	simm.s32 $0x2000  }
0x1f: {  	[tilespmem:s31], [sflag:$0x2] =	stream.indirect.gather [hbm4b:s5+s12], $0x10, s18, s12, $0xb8;
	[tilespmem:$0x1CB00] =	vst v63  }
.LBB2_4:
0x20: {  	p0 =	sne.s32 s19, $0x34000  }
.Ltmp1:
0x21: {  	s20 =	sshra.s32 s19, $0x2;
	s19 =	sadd.s32 $0x2000, s19;
	(pc) =	sbr.rel @p0 .LBB2_4-.Ltmp1, $4  }
0x22: {  	s18 =	sadd.s32 $0x80, s18;
	s21 =	sadd.s32 $0x1B00, s20  }
0x23: {  	[tilespmem:s21], [sflag:$0x1] =	stream.indirect.gather [hbm4b:s4+s12], $0x10, s18, s12, $0xb8;
	[tilespmem:$0x1CB00] =	vst v63  }
0x24: {  	s20 =	sadd.s32 $0xF300, s20  }
0x25: {  	[tilespmem:s20], [sflag:$0x2] =	stream.indirect.gather [hbm4b:s5+s12], $0x10, s18, s12, $0xb8;
	[tilespmem:$0x1CB00] =	vst v63  }
0x26: {  	_ =	swait.ge [sflag:s13], $0x800  }
0x27: {  	[sflag:s13] =	ssyncset.done $0x0  }
0x28: {  	[sflag:s13] =	ssyncadd.s32 $0xFFFFF800  }
0x29: {  	_ =	swait.ge [sflag:s14], $0x800  }
0x2a: {  	s18 =	simm.s32 $0x1A;
	[sflag:s14] =	ssyncset.done $0x0  }
.LBB2_6:
0x2b: {  	p0 =	sne.s32 s18, $0x1;
	s18 =	sadd.s32 $0xFFFFFFFF, s18;
	[sflag:s14] =	ssyncadd.s32 $0xFFFFF800  }
.Ltmp2:
0x2c: {  	_ =	swait.ge [sflag:s13], $0x800;
	(pc) =	sbr.rel @p0 .LBB2_6-.Ltmp2, $4  }
0x2d: {  	[sflag:s13] =	ssyncset.done $0x0  }
0x2e: {  	[sflag:s13] =	ssyncadd.s32 $0xFFFFF800  }
0x2f: {  	_ =	swait.ge [sflag:s14], $0x800  }
0x30: {  	[sflag:s14] =	ssyncset.done $0x0  }
0x31: {  	[sflag:s14] =	ssyncadd.s32 $0xFFFFF800  }
0x32: {  	[hbm4b:s7+s3] =	stream.linear.scatter [tilespmem:s15], [sflag:$0x3], $0xD800, $0x38;
	[tilespmem:$0x1CB00] =	vst v63  }
0x33: {  	s17 =	sadd.s32 $0x1, s17;
	_ =	swait.ge [sflag:s10], $0xD800  }
0x34: {  	p0 =	sne.s32 s17, s9;
	[sflag:s10] =	ssyncset.done $0x0  }
.Ltmp3:
0x35: {  	[sflag:s10] =	ssyncadd.s32 $0xFFFF2800;
	(pc) =	sbr.rel @p0 .LBB2_1-.Ltmp3, $4  }
0x36: {  	[hbm4b:s8+s3] =	stream.linear.scatter [tilespmem:s16], [sflag:$0x3], $0xD800, $0x38;
	[tilespmem:$0x1CB00] =	vst v63  }
0x37: {  	_ =	swait.ge [sflag:s10], $0xD800  }
0x38: {  	[sflag:s10] =	ssyncset.done $0x0  }
0x39: {  	[sflag:s10] =	ssyncadd.s32 $0xFFFF2800  }
0x3a: {  	_ =	sfence.sel $0x180000  }
0x3b: {  	[bflag:$0x0] =	sbarrier.arrive $0xFFFF  }
0x3c: {  	p0 =	sne.s32 s0, $0x0;
	_ =	strace $0x90000047  }
0x3d: {  	s0 =	sadd.s32 @!p0 $0x100000, s1;
	[bflag:$0x2] =	sbarrier.arrive $0xFFFF  }
0x3e: {  	[sflag:s0] =	ssyncadd.tile.s32 @!p0 $0x1;
	_ =	shalt  }
.Lfunc_end2:
_tile_overlayer_lowered:
.L_overlay_start_2:
0x3f: {  	(tag) =	ssettag $0x2  }
0x40: {  	s0 =	rddreg [dreg:$0x0];
	s2 =	stileid.u32  }
0x41: {  	s1 =	rddreg [dreg:$0x1];
	p0 =	sne.s32 s2, $0x0  }
0x42: {  	s3 =	rddreg [dreg:$0x2];
	[bflag:$0x3] =	sbarrier.arrive $0xFFFF;
	s2 =	simm.s32 @!p0 $0x1C03  }
0x43: {  	[timem:s3], [sflag:s2] =	dma.local @!p0 [hbm:s0], s1  }
0x44: {  	s0 =	simm.s32 @!p0 $0x3  }
0x45: {  	_ =	swait.ge @!p0 [sflag:s0], s1  }
0x46: {  	s1 =	ssub.s32 @!p0 $0x0, s1;
	[sflag:s0] =	ssyncset.done @!p0 $0x0  }
0x47: {  	[sflag:s0] =	ssyncadd.s32 @!p0 s1  }
0x48: {  	[bflag:$0x3] =	sbarrier.arrive $0xFFFF  }
0x49: {  	_ =	shalt  }

</sc_bundles>
